<compile_context>
chip_gen: v7x
topology: tpu7x:2x2x1
jax: 0.10.2.dev20260603
libtpu: 0.0.44.dev20260713+nightly
codegen_flags: <defaults>
</compile_context>

<pallas_src>
import functools

import jax
import jax.numpy as jnp
from jax import lax
from jax.experimental import pallas as pl
from jax.experimental.pallas import tpu as pltpu
from jax.experimental.pallas import tpu_sc as plsc

N_NODES = 10000
N_HEDGES = 10000
NNZ = 320000
PAD = 10240
NW = 32
CHUNK = 128
NCH = 79
REAL_PER_TILE = NNZ // NW
DUM_PER_TILE = NCH * CHUNK - REAL_PER_TILE
ROWS_PER_SUB = PAD // 16


def _make_segsum(F):
    mesh = plsc.VectorSubcoreMesh(core_axis_name="c", subcore_axis_name="s")

    @functools.partial(
        pl.kernel,
        mesh=mesh,
        out_type=jax.ShapeDtypeStruct((2, PAD, F), jnp.float32),
        scratch_types=[
            pltpu.VMEM((NCH, CHUNK), jnp.int32),
            pltpu.VMEM((NCH, CHUNK), jnp.int32),
            pltpu.VMEM((CHUNK, F), jnp.float32),
            pltpu.VMEM_SHARED((PAD, F), jnp.float32),
            pltpu.SemaphoreType.DMA,
        ],
    )
    def seg(table_hbm, src_hbm, dst_hbm, out_hbm, sidx_v, didx_v, rows0_v, acc_sh, sem):
        c = lax.axis_index("c")
        s = lax.axis_index("s")
        wid = s * 2 + c

        zvec = jnp.zeros((16,), jnp.float32)

        def _zrow(i, carry):
            for j in range(F // 16):
                rows0_v[i, pl.ds(j * 16, 16)] = zvec
            return carry

        lax.fori_loop(0, CHUNK, _zrow, 0)
        for k in range(ROWS_PER_SUB // CHUNK):
            pltpu.sync_copy(rows0_v,
                            acc_sh.at[pl.ds(s * ROWS_PER_SUB + k * CHUNK, CHUNK)])
        plsc.subcore_barrier()

        pltpu.sync_copy(src_hbm.at[wid], sidx_v)
        pltpu.sync_copy(dst_hbm.at[wid], didx_v)

        def _chunk(j, carry):
            pltpu.async_copy(table_hbm.at[sidx_v.at[j]], rows0_v, sem).wait()
            pltpu.sync_copy(rows0_v, acc_sh.at[didx_v.at[j]], add=True)
            return carry

        lax.fori_loop(0, NCH, _chunk, 0)

        plsc.subcore_barrier()
        pltpu.sync_copy(
            acc_sh.at[pl.ds(s * ROWS_PER_SUB, ROWS_PER_SUB)],
            out_hbm.at[c, pl.ds(s * ROWS_PER_SUB, ROWS_PER_SUB)],
        )

    return seg


def _tc_first(x, w, b, scale_out):
    n = x.shape[0]
    br = 1000

    def body(x_ref, w_ref, b_ref, so_ref, o_ref):
        h = jnp.dot(x_ref[...], w_ref[...], preferred_element_type=jnp.float32)
        o_ref[...] = (h + b_ref[...]) * so_ref[...]

    return pl.pallas_call(
        body,
        grid=(n // br,),
        in_specs=[
            pl.BlockSpec((br, 128), lambda i: (i, 0)),
            pl.BlockSpec((128, 128), lambda i: (0, 0)),
            pl.BlockSpec((1, 128), lambda i: (0, 0)),
            pl.BlockSpec((br, 1), lambda i: (i, 0)),
        ],
        out_specs=pl.BlockSpec((br, 128), lambda i: (i, 0)),
        out_shape=jax.ShapeDtypeStruct((n, 128), jnp.float32),
    )(x, w, b.reshape(1, -1), scale_out.reshape(-1, 1))


def _tc_mid(parts, scale_in, w, b, scale_out):
    br = 1024
    k = parts.shape[2]
    ko = w.shape[1]

    def body(p_ref, si_ref, w_ref, b_ref, so_ref, o_ref):
        a = p_ref[0] + p_ref[1]
        t = jnp.maximum(a * si_ref[...], 0.0)
        h = jnp.dot(t, w_ref[...], preferred_element_type=jnp.float32)
        o_ref[...] = (h + b_ref[...]) * so_ref[...]

    return pl.pallas_call(
        body,
        grid=(PAD // br,),
        in_specs=[
            pl.BlockSpec((2, br, k), lambda i: (0, i, 0)),
            pl.BlockSpec((br, 1), lambda i: (i, 0)),
            pl.BlockSpec((k, ko), lambda i: (0, 0)),
            pl.BlockSpec((1, ko), lambda i: (0, 0)),
            pl.BlockSpec((br, 1), lambda i: (i, 0)),
        ],
        out_specs=pl.BlockSpec((br, ko), lambda i: (i, 0)),
        out_shape=jax.ShapeDtypeStruct((PAD, ko), jnp.float32),
    )(parts, scale_in.reshape(-1, 1), w, b.reshape(1, -1), scale_out.reshape(-1, 1))


def _tc_final(parts, scale):
    br = 1024
    k = parts.shape[2]

    def body(p_ref, s_ref, o_ref):
        o_ref[...] = (p_ref[0] + p_ref[1]) * s_ref[...]

    return pl.pallas_call(
        body,
        grid=(PAD // br,),
        in_specs=[
            pl.BlockSpec((2, br, k), lambda i: (0, i, 0)),
            pl.BlockSpec((br, 1), lambda i: (i, 0)),
        ],
        out_specs=pl.BlockSpec((br, k), lambda i: (i, 0)),
        out_shape=jax.ShapeDtypeStruct((PAD, k), jnp.float32),
    )(parts, scale.reshape(-1, 1))


def kernel(x, edge_index, D_v_beta, D_e_beta_inv, D_e_alpha, D_v_alpha_inv,
           W_v2e_1, b_v2e_1, W_e2v_1, b_e2v_1, W_v2e_2, b_v2e_2, W_e2v_2, b_e2v_2):
    node = edge_index[0].reshape(NW, REAL_PER_TILE)
    hedge = edge_index[1].reshape(NW, REAL_PER_TILE)
    dummy_src = jnp.zeros((NW, DUM_PER_TILE), jnp.int32)
    rot = (jnp.arange(DUM_PER_TILE, dtype=jnp.int32)[None, :]
           + 113 * jnp.arange(NW, dtype=jnp.int32)[:, None]) % DUM_PER_TILE
    dummy_dst = N_NODES + rot
    shp = (NW, NCH, CHUNK)
    node_src = jnp.concatenate([node, dummy_src], 1).reshape(shp)
    node_dst = jnp.concatenate([node, dummy_dst], 1).reshape(shp)
    hedge_src = jnp.concatenate([hedge, dummy_src], 1).reshape(shp)
    hedge_dst = jnp.concatenate([hedge, dummy_dst], 1).reshape(shp)

    def padrow(v):
        return jnp.pad(v, (0, PAD - v.shape[0]))

    dvb_p = padrow(D_v_beta)
    debi_p = padrow(D_e_beta_inv)
    dea_p = padrow(D_e_alpha)
    dvai_p = padrow(D_v_alpha_inv)

    seg128 = _make_segsum(128)

    h1 = _tc_first(x, W_v2e_1, b_v2e_1, D_v_beta)
    aggE1 = seg128(h1, node_src, hedge_dst)
    o1 = _tc_mid(aggE1, debi_p, W_e2v_1, b_e2v_1, dea_p)
    aggN1 = seg128(o1, hedge_src, node_dst)
    h2 = _tc_mid(aggN1, dvai_p, W_v2e_2, b_v2e_2, dvb_p)
    aggE2 = seg128(h2, node_src, hedge_dst)
    w2p = jnp.pad(W_e2v_2, ((0, 0), (0, 128 - 40)))
    b2p = jnp.pad(b_e2v_2, (0, 128 - 40))
    o2 = _tc_mid(aggE2, debi_p, w2p, b2p, dea_p)
    aggN2 = seg128(o2, hedge_src, node_dst)
    out = _tc_final(aggN2, dvai_p)
    return out[:N_NODES, :40]

# --- scband reference (transcript-rebuilt; emitter-appended) ---
"""Pipeline reference for scband-hnhn-2594160246968 (READ-ONLY COPY).

The authoritative reference and input builder live on the scoring server;
editing this copy changes nothing except your own understanding.
"""

import jax, jax.numpy as jnp
import numpy as np

N = 10000
E = 10000
NNZ = 320000
D = 128
H = 128
C = 40

def setup_inputs(seed: int = 0):
    key = jax.random.key(seed)
    ks = jax.random.split(key, 14)
    inp = {}
    inp["x"] = jax.random.normal(ks[0], (N, D), dtype=jnp.float32)
    inp["edge_index"] = jnp.stack([
        jax.random.randint(ks[1], (NNZ,), 0, N, dtype=jnp.int32),
        jax.random.randint(ks[2], (NNZ,), 0, E, dtype=jnp.int32)])
    inp["D_v_beta"] = jax.random.uniform(ks[3], (N,), dtype=jnp.float32)
    inp["D_e_beta_inv"] = jax.random.uniform(ks[4], (E,), dtype=jnp.float32)
    inp["D_e_alpha"] = jax.random.uniform(ks[5], (E,), dtype=jnp.float32)
    inp["D_v_alpha_inv"] = jax.random.uniform(ks[6], (N,), dtype=jnp.float32)
    s1 = 1.0 / np.sqrt(D)
    s2 = 1.0 / np.sqrt(H)
    inp["W_v2e_1"] = jax.random.uniform(ks[7], (D, H), minval=-s1, maxval=s1, dtype=jnp.float32)
    inp["b_v2e_1"] = jnp.zeros((H,), dtype=jnp.float32)
    inp["W_e2v_1"] = jax.random.uniform(ks[8], (H, H), minval=-s2, maxval=s2, dtype=jnp.float32)
    inp["b_e2v_1"] = jnp.zeros((H,), dtype=jnp.float32)
    inp["W_v2e_2"] = jax.random.uniform(ks[9], (H, H), minval=-s2, maxval=s2, dtype=jnp.float32)
    inp["b_v2e_2"] = jnp.zeros((H,), dtype=jnp.float32)
    inp["W_e2v_2"] = jax.random.uniform(ks[10], (H, C), minval=-s2, maxval=s2, dtype=jnp.float32)
    inp["b_e2v_2"] = jnp.zeros((C,), dtype=jnp.float32)
    return inp

def hnhn_conv(x, edge_index, D_v_beta, D_e_beta_inv, D_e_alpha, D_v_alpha_inv, W1, b1, W2, b2, nonlinear):
    # node -> hyperedge -> node message passing (HNHNConv)
    node_idx = edge_index[0]
    hedge_idx = edge_index[1]
    h = x @ W1 + b1
    h = h * D_v_beta[:, None]
    # source_to_target propagate: aggregate nodes into hyperedges, norm = D_e_beta_inv at target edge
    msgs = D_e_beta_inv[hedge_idx][:, None] * h[node_idx]
    agg_e = jax.ops.segment_sum(msgs, hedge_idx, num_segments=E)
    if nonlinear:
        agg_e = jax.nn.relu(agg_e)
    o = agg_e @ W2 + b2
    o = o * D_e_alpha[:, None]
    # target_to_source propagate: aggregate hyperedges back into nodes, norm = D_v_alpha_inv at node
    msgs2 = D_v_alpha_inv[node_idx][:, None] * o[hedge_idx]
    return jax.ops.segment_sum(msgs2, node_idx, num_segments=N)

def reference(x, edge_index, D_v_beta, D_e_beta_inv, D_e_alpha, D_v_alpha_inv, W_v2e_1, b_v2e_1, W_e2v_1, b_e2v_1, W_v2e_2, b_v2e_2, W_e2v_2, b_e2v_2):
    # 2-layer HNHN, eval mode (dropout is identity)
    h = hnhn_conv(x, edge_index, D_v_beta, D_e_beta_inv, D_e_alpha, D_v_alpha_inv, W_v2e_1, b_v2e_1, W_e2v_1, b_e2v_1, True)
    h = jax.nn.relu(h)
    out = hnhn_conv(h, edge_index, D_v_beta, D_e_beta_inv, D_e_alpha, D_v_alpha_inv, W_v2e_2, b_v2e_2, W_e2v_2, b_e2v_2, True)
    return out

if __name__ == "__main__":
    import jax
    _d = setup_inputs()
    print(jax.jit(kernel)(*tuple(_d.values())))

</pallas_src>

<mosaic_0001>
#map = affine_map<(d0, d1) -> (0, 0)>
#map1 = affine_map<(d0, d1) -> (0, 0, 0)>
module attributes {stable_mosaic.version = 14 : i64} {
  func.func @seg(%arg0: i32, %arg1: i32, %arg2: memref<10000x128xf32, #tpu.memory_space<hbm>>, %arg3: memref<32x79x128xi32, #tpu.memory_space<hbm>>, %arg4: memref<32x79x128xi32, #tpu.memory_space<hbm>>, %arg5: memref<2x10240x128xf32, #tpu.memory_space<hbm>>, %arg6: memref<79x128xi32, #tpu.memory_space<vmem>>, %arg7: memref<79x128xi32, #tpu.memory_space<vmem>>, %arg8: memref<128x128xf32, #tpu.memory_space<vmem>>, %arg9: memref<10240x128xf32, #tpu.memory_space<vmem_shared>>, %arg10: memref<!tpu.dma_semaphore, #tpu.memory_space<semaphore_mem>>) attributes {dimension_semantics = [#tpu.dimension_semantics<core_parallel>, #tpu.dimension_semantics<subcore_parallel>], iteration_bounds = array<i64: 2, 16>, scalar_prefetch = 0 : i64, scratch_operands = 5 : i64, tpu.core_type = #tpu.core_type<sc_vector_subcore>, window_params = [{transform_indices = #map}, {transform_indices = #map1}, {transform_indices = #map1}, {transform_indices = #map1}]} {
    %mul3A = arith.constant 2 : i32
    %mul3A_0 = arith.muli %arg1, %mul3A : i32
    %add3A = arith.addi %mul3A_0, %arg0 : i32
    %broadcast_in_dim3A = arith.constant 0.000000e+00 : f32
    %broadcast_in_dim3A_1 = vector.broadcast %broadcast_in_dim3A : f32 to vector<16xf32>
    %scan3A = arith.constant 0 : i32
    %scan3A_2 = arith.constant 0 : i32
    %scan3A_3 = arith.constant 128 : i32
    %scan3A_4 = arith.addi %scan3A_2, %scan3A_3 : i32
    %scan3A_5 = arith.constant 1 : i32
    scf.for %scan3A_38 = %scan3A_2 to %scan3A_4 step %scan3A_5  : i32 {
      %swap3A = arith.index_cast %scan3A_38 : i32 to index
      %swap3A_39 = arith.constant 0 : index
      %swap3A_40 = tpu.vector_load %arg8[%swap3A, %swap3A_39] {strides = array<i32>} : memref<128x128xf32, #tpu.memory_space<vmem>>, vector<1x16xf32>,
      %swap3A_41 = vector.shape_cast %swap3A_40 : vector<1x16xf32> to vector<16xf32>
      %swap3A_42 = vector.shape_cast %broadcast_in_dim3A_1 : vector<16xf32> to vector<1x16xf32>
      tpu.vector_store %arg8[%swap3A, %swap3A_39], %swap3A_42 {strides = array<i32>} : memref<128x128xf32, #tpu.memory_space<vmem>>, vector<1x16xf32>,
      %swap3A_43 = arith.index_cast %scan3A_38 : i32 to index
      %swap3A_44 = arith.constant 16 : index
      %swap3A_45 = tpu.vector_load %arg8[%swap3A_43, %swap3A_44] {strides = array<i32>} : memref<128x128xf32, #tpu.memory_space<vmem>>, vector<1x16xf32>,
      %swap3A_46 = vector.shape_cast %swap3A_45 : vector<1x16xf32> to vector<16xf32>
      %swap3A_47 = vector.shape_cast %broadcast_in_dim3A_1 : vector<16xf32> to vector<1x16xf32>
      tpu.vector_store %arg8[%swap3A_43, %swap3A_44], %swap3A_47 {strides = array<i32>} : memref<128x128xf32, #tpu.memory_space<vmem>>, vector<1x16xf32>,
      %swap3A_48 = arith.index_cast %scan3A_38 : i32 to index
      %swap3A_49 = arith.constant 32 : index
      %swap3A_50 = tpu.vector_load %arg8[%swap3A_48, %swap3A_49] {strides = array<i32>} : memref<128x128xf32, #tpu.memory_space<vmem>>, vector<1x16xf32>,
      %swap3A_51 = vector.shape_cast %swap3A_50 : vector<1x16xf32> to vector<16xf32>
      %swap3A_52 = vector.shape_cast %broadcast_in_dim3A_1 : vector<16xf32> to vector<1x16xf32>
      tpu.vector_store %arg8[%swap3A_48, %swap3A_49], %swap3A_52 {strides = array<i32>} : memref<128x128xf32, #tpu.memory_space<vmem>>, vector<1x16xf32>,
      %swap3A_53 = arith.index_cast %scan3A_38 : i32 to index
      %swap3A_54 = arith.constant 48 : index
      %swap3A_55 = tpu.vector_load %arg8[%swap3A_53, %swap3A_54] {strides = array<i32>} : memref<128x128xf32, #tpu.memory_space<vmem>>, vector<1x16xf32>,
      %swap3A_56 = vector.shape_cast %swap3A_55 : vector<1x16xf32> to vector<16xf32>
      %swap3A_57 = vector.shape_cast %broadcast_in_dim3A_1 : vector<16xf32> to vector<1x16xf32>
      tpu.vector_store %arg8[%swap3A_53, %swap3A_54], %swap3A_57 {strides = array<i32>} : memref<128x128xf32, #tpu.memory_space<vmem>>, vector<1x16xf32>,
      %swap3A_58 = arith.index_cast %scan3A_38 : i32 to index
      %swap3A_59 = arith.constant 64 : index
      %swap3A_60 = tpu.vector_load %arg8[%swap3A_58, %swap3A_59] {strides = array<i32>} : memref<128x128xf32, #tpu.memory_space<vmem>>, vector<1x16xf32>,
      %swap3A_61 = vector.shape_cast %swap3A_60 : vector<1x16xf32> to vector<16xf32>
      %swap3A_62 = vector.shape_cast %broadcast_in_dim3A_1 : vector<16xf32> to vector<1x16xf32>
      tpu.vector_store %arg8[%swap3A_58, %swap3A_59], %swap3A_62 {strides = array<i32>} : memref<128x128xf32, #tpu.memory_space<vmem>>, vector<1x16xf32>,
      %swap3A_63 = arith.index_cast %scan3A_38 : i32 to index
      %swap3A_64 = arith.constant 80 : index
      %swap3A_65 = tpu.vector_load %arg8[%swap3A_63, %swap3A_64] {strides = array<i32>} : memref<128x128xf32, #tpu.memory_space<vmem>>, vector<1x16xf32>,
      %swap3A_66 = vector.shape_cast %swap3A_65 : vector<1x16xf32> to vector<16xf32>
      %swap3A_67 = vector.shape_cast %broadcast_in_dim3A_1 : vector<16xf32> to vector<1x16xf32>
      tpu.vector_store %arg8[%swap3A_63, %swap3A_64], %swap3A_67 {strides = array<i32>} : memref<128x128xf32, #tpu.memory_space<vmem>>, vector<1x16xf32>,
      %swap3A_68 = arith.index_cast %scan3A_38 : i32 to index
      %swap3A_69 = arith.constant 96 : index
      %swap3A_70 = tpu.vector_load %arg8[%swap3A_68, %swap3A_69] {strides = array<i32>} : memref<128x128xf32, #tpu.memory_space<vmem>>, vector<1x16xf32>,
      %swap3A_71 = vector.shape_cast %swap3A_70 : vector<1x16xf32> to vector<16xf32>
      %swap3A_72 = vector.shape_cast %broadcast_in_dim3A_1 : vector<16xf32> to vector<1x16xf32>
      tpu.vector_store %arg8[%swap3A_68, %swap3A_69], %swap3A_72 {strides = array<i32>} : memref<128x128xf32, #tpu.memory_space<vmem>>, vector<1x16xf32>,
      %swap3A_73 = arith.index_cast %scan3A_38 : i32 to index
      %swap3A_74 = arith.constant 112 : index
      %swap3A_75 = tpu.vector_load %arg8[%swap3A_73, %swap3A_74] {strides = array<i32>} : memref<128x128xf32, #tpu.memory_space<vmem>>, vector<1x16xf32>,
      %swap3A_76 = vector.shape_cast %swap3A_75 : vector<1x16xf32> to vector<16xf32>
      %swap3A_77 = vector.shape_cast %broadcast_in_dim3A_1 : vector<16xf32> to vector<1x16xf32>
      tpu.vector_store %arg8[%swap3A_73, %swap3A_74], %swap3A_77 {strides = array<i32>} : memref<128x128xf32, #tpu.memory_space<vmem>>, vector<1x16xf32>,
    }
    %scan3A_6 = arith.constant 128 : i32
    %mul3A_7 = arith.constant 640 : i32
    %mul3A_8 = arith.muli %arg1, %mul3A_7 : i32
    %add3A_9 = arith.constant 0 : i32
    %add3A_10 = arith.addi %mul3A_8, %add3A_9 : i32
    "tpu.region"() ({
      %run_scoped3A = tpu.sem_alloc : memref<!tpu.dma_semaphore, #tpu.memory_space<semaphore_mem>>
      %dma_start3A = arith.constant 0 : i32
      %dma_start3A_38 = tpu.memref_slice %arg9[%add3A_10, %dma_start3A] : memref<10240x128xf32, #tpu.memory_space<vmem_shared>> -> memref<128x128xf32, #tpu.memory_space<vmem_shared>>
      %dma_start3A_39 = arith.constant 0 : i32
      %dma_start3A_40 = tpu.memref_slice %arg9[%add3A_10, %dma_start3A_39] : memref<10240x128xf32, #tpu.memory_space<vmem_shared>> -> memref<128x128xf32, #tpu.memory_space<vmem_shared>>
      tpu.enqueue_dma source(%arg8 : memref<128x128xf32, #tpu.memory_space<vmem>>) target(%dma_start3A_40 : memref<128x128xf32, #tpu.memory_space<vmem_shared>>) target_semaphore(%run_scoped3A : memref<!tpu.dma_semaphore, #tpu.memory_space<semaphore_mem>>)
      %dma_wait3A = arith.constant 0 : i32
      %dma_wait3A_41 = tpu.memref_slice %arg9[%add3A_10, %dma_wait3A] : memref<10240x128xf32, #tpu.memory_space<vmem_shared>> -> memref<128x128xf32, #tpu.memory_space<vmem_shared>>
      %dma_wait3A_42 = arith.constant 0 : i32
      %dma_wait3A_43 = tpu.memref_slice %arg9[%add3A_10, %dma_wait3A_42] : memref<10240x128xf32, #tpu.memory_space<vmem_shared>> -> memref<128x128xf32, #tpu.memory_space<vmem_shared>>
      tpu.wait_dma2 semaphore(%run_scoped3A : memref<!tpu.dma_semaphore, #tpu.memory_space<semaphore_mem>>) src(%arg8 : memref<128x128xf32, #tpu.memory_space<vmem>>) dst(%dma_wait3A_43 : memref<128x128xf32, #tpu.memory_space<vmem_shared>>)
      tpu.yield
    }) : () -> ()
    %mul3A_11 = arith.constant 640 : i32
    %mul3A_12 = arith.muli %arg1, %mul3A_11 : i32
    %add3A_13 = arith.constant 128 : i32
    %add3A_14 = arith.addi %mul3A_12, %add3A_13 : i32
    "tpu.region"() ({
      %run_scoped3A = tpu.sem_alloc : memref<!tpu.dma_semaphore, #tpu.memory_space<semaphore_mem>>
      %dma_start3A = arith.constant 0 : i32
      %dma_start3A_38 = tpu.memref_slice %arg9[%add3A_14, %dma_start3A] : memref<10240x128xf32, #tpu.memory_space<vmem_shared>> -> memref<128x128xf32, #tpu.memory_space<vmem_shared>>
      %dma_start3A_39 = arith.constant 0 : i32
      %dma_start3A_40 = tpu.memref_slice %arg9[%add3A_14, %dma_start3A_39] : memref<10240x128xf32, #tpu.memory_space<vmem_shared>> -> memref<128x128xf32, #tpu.memory_space<vmem_shared>>
      tpu.enqueue_dma source(%arg8 : memref<128x128xf32, #tpu.memory_space<vmem>>) target(%dma_start3A_40 : memref<128x128xf32, #tpu.memory_space<vmem_shared>>) target_semaphore(%run_scoped3A : memref<!tpu.dma_semaphore, #tpu.memory_space<semaphore_mem>>)
      %dma_wait3A = arith.constant 0 : i32
      %dma_wait3A_41 = tpu.memref_slice %arg9[%add3A_14, %dma_wait3A] : memref<10240x128xf32, #tpu.memory_space<vmem_shared>> -> memref<128x128xf32, #tpu.memory_space<vmem_shared>>
      %dma_wait3A_42 = arith.constant 0 : i32
      %dma_wait3A_43 = tpu.memref_slice %arg9[%add3A_14, %dma_wait3A_42] : memref<10240x128xf32, #tpu.memory_space<vmem_shared>> -> memref<128x128xf32, #tpu.memory_space<vmem_shared>>
      tpu.wait_dma2 semaphore(%run_scoped3A : memref<!tpu.dma_semaphore, #tpu.memory_space<semaphore_mem>>) src(%arg8 : memref<128x128xf32, #tpu.memory_space<vmem>>) dst(%dma_wait3A_43 : memref<128x128xf32, #tpu.memory_space<vmem_shared>>)
      tpu.yield
    }) : () -> ()
    %mul3A_15 = arith.constant 640 : i32
    %mul3A_16 = arith.muli %arg1, %mul3A_15 : i32
    %add3A_17 = arith.constant 256 : i32
    %add3A_18 = arith.addi %mul3A_16, %add3A_17 : i32
    "tpu.region"() ({
      %run_scoped3A = tpu.sem_alloc : memref<!tpu.dma_semaphore, #tpu.memory_space<semaphore_mem>>
      %dma_start3A = arith.constant 0 : i32
      %dma_start3A_38 = tpu.memref_slice %arg9[%add3A_18, %dma_start3A] : memref<10240x128xf32, #tpu.memory_space<vmem_shared>> -> memref<128x128xf32, #tpu.memory_space<vmem_shared>>
      %dma_start3A_39 = arith.constant 0 : i32
      %dma_start3A_40 = tpu.memref_slice %arg9[%add3A_18, %dma_start3A_39] : memref<10240x128xf32, #tpu.memory_space<vmem_shared>> -> memref<128x128xf32, #tpu.memory_space<vmem_shared>>
      tpu.enqueue_dma source(%arg8 : memref<128x128xf32, #tpu.memory_space<vmem>>) target(%dma_start3A_40 : memref<128x128xf32, #tpu.memory_space<vmem_shared>>) target_semaphore(%run_scoped3A : memref<!tpu.dma_semaphore, #tpu.memory_space<semaphore_mem>>)
      %dma_wait3A = arith.constant 0 : i32
      %dma_wait3A_41 = tpu.memref_slice %arg9[%add3A_18, %dma_wait3A] : memref<10240x128xf32, #tpu.memory_space<vmem_shared>> -> memref<128x128xf32, #tpu.memory_space<vmem_shared>>
      %dma_wait3A_42 = arith.constant 0 : i32
      %dma_wait3A_43 = tpu.memref_slice %arg9[%add3A_18, %dma_wait3A_42] : memref<10240x128xf32, #tpu.memory_space<vmem_shared>> -> memref<128x128xf32, #tpu.memory_space<vmem_shared>>
      tpu.wait_dma2 semaphore(%run_scoped3A : memref<!tpu.dma_semaphore, #tpu.memory_space<semaphore_mem>>) src(%arg8 : memref<128x128xf32, #tpu.memory_space<vmem>>) dst(%dma_wait3A_43 : memref<128x128xf32, #tpu.memory_space<vmem_shared>>)
      tpu.yield
    }) : () -> ()
    %mul3A_19 = arith.constant 640 : i32
    %mul3A_20 = arith.muli %arg1, %mul3A_19 : i32
    %add3A_21 = arith.constant 384 : i32
    %add3A_22 = arith.addi %mul3A_20, %add3A_21 : i32
    "tpu.region"() ({
      %run_scoped3A = tpu.sem_alloc : memref<!tpu.dma_semaphore, #tpu.memory_space<semaphore_mem>>
      %dma_start3A = arith.constant 0 : i32
      %dma_start3A_38 = tpu.memref_slice %arg9[%add3A_22, %dma_start3A] : memref<10240x128xf32, #tpu.memory_space<vmem_shared>> -> memref<128x128xf32, #tpu.memory_space<vmem_shared>>
      %dma_start3A_39 = arith.constant 0 : i32
      %dma_start3A_40 = tpu.memref_slice %arg9[%add3A_22, %dma_start3A_39] : memref<10240x128xf32, #tpu.memory_space<vmem_shared>> -> memref<128x128xf32, #tpu.memory_space<vmem_shared>>
      tpu.enqueue_dma source(%arg8 : memref<128x128xf32, #tpu.memory_space<vmem>>) target(%dma_start3A_40 : memref<128x128xf32, #tpu.memory_space<vmem_shared>>) target_semaphore(%run_scoped3A : memref<!tpu.dma_semaphore, #tpu.memory_space<semaphore_mem>>)
      %dma_wait3A = arith.constant 0 : i32
      %dma_wait3A_41 = tpu.memref_slice %arg9[%add3A_22, %dma_wait3A] : memref<10240x128xf32, #tpu.memory_space<vmem_shared>> -> memref<128x128xf32, #tpu.memory_space<vmem_shared>>
      %dma_wait3A_42 = arith.constant 0 : i32
      %dma_wait3A_43 = tpu.memref_slice %arg9[%add3A_22, %dma_wait3A_42] : memref<10240x128xf32, #tpu.memory_space<vmem_shared>> -> memref<128x128xf32, #tpu.memory_space<vmem_shared>>
      tpu.wait_dma2 semaphore(%run_scoped3A : memref<!tpu.dma_semaphore, #tpu.memory_space<semaphore_mem>>) src(%arg8 : memref<128x128xf32, #tpu.memory_space<vmem>>) dst(%dma_wait3A_43 : memref<128x128xf32, #tpu.memory_space<vmem_shared>>)
      tpu.yield
    }) : () -> ()
    %mul3A_23 = arith.constant 640 : i32
    %mul3A_24 = arith.muli %arg1, %mul3A_23 : i32
    %add3A_25 = arith.constant 512 : i32
    %add3A_26 = arith.addi %mul3A_24, %add3A_25 : i32
    "tpu.region"() ({
      %run_scoped3A = tpu.sem_alloc : memref<!tpu.dma_semaphore, #tpu.memory_space<semaphore_mem>>
      %dma_start3A = arith.constant 0 : i32
      %dma_start3A_38 = tpu.memref_slice %arg9[%add3A_26, %dma_start3A] : memref<10240x128xf32, #tpu.memory_space<vmem_shared>> -> memref<128x128xf32, #tpu.memory_space<vmem_shared>>
      %dma_start3A_39 = arith.constant 0 : i32
      %dma_start3A_40 = tpu.memref_slice %arg9[%add3A_26, %dma_start3A_39] : memref<10240x128xf32, #tpu.memory_space<vmem_shared>> -> memref<128x128xf32, #tpu.memory_space<vmem_shared>>
      tpu.enqueue_dma source(%arg8 : memref<128x128xf32, #tpu.memory_space<vmem>>) target(%dma_start3A_40 : memref<128x128xf32, #tpu.memory_space<vmem_shared>>) target_semaphore(%run_scoped3A : memref<!tpu.dma_semaphore, #tpu.memory_space<semaphore_mem>>)
      %dma_wait3A = arith.constant 0 : i32
      %dma_wait3A_41 = tpu.memref_slice %arg9[%add3A_26, %dma_wait3A] : memref<10240x128xf32, #tpu.memory_space<vmem_shared>> -> memref<128x128xf32, #tpu.memory_space<vmem_shared>>
      %dma_wait3A_42 = arith.constant 0 : i32
      %dma_wait3A_43 = tpu.memref_slice %arg9[%add3A_26, %dma_wait3A_42] : memref<10240x128xf32, #tpu.memory_space<vmem_shared>> -> memref<128x128xf32, #tpu.memory_space<vmem_shared>>
      tpu.wait_dma2 semaphore(%run_scoped3A : memref<!tpu.dma_semaphore, #tpu.memory_space<semaphore_mem>>) src(%arg8 : memref<128x128xf32, #tpu.memory_space<vmem>>) dst(%dma_wait3A_43 : memref<128x128xf32, #tpu.memory_space<vmem_shared>>)
      tpu.yield
    }) : () -> ()
    %barrier3A = arith.constant 0 : index
    tpu.barrier barrier_id(%barrier3A)
    "tpu.region"() ({
      %run_scoped3A = tpu.sem_alloc : memref<!tpu.dma_semaphore, #tpu.memory_space<semaphore_mem>>
      %dma_start3A = arith.constant 0 : i32
      %dma_start3A_38 = arith.constant 0 : i32
      %dma_start3A_39 = tpu.memref_slice %arg3[%add3A, %dma_start3A, %dma_start3A_38] : memref<32x79x128xi32, #tpu.memory_space<hbm>> -> memref<1x79x128xi32, #tpu.memory_space<hbm>>
      %dma_start3A_40 = tpu.memref_squeeze %dma_start3A_39 : memref<1x79x128xi32, #tpu.memory_space<hbm>> -> memref<79x128xi32, #tpu.memory_space<hbm>>
      %dma_start3A_41 = arith.constant 0 : i32
      %dma_start3A_42 = arith.constant 0 : i32
      %dma_start3A_43 = tpu.memref_slice %arg3[%add3A, %dma_start3A_41, %dma_start3A_42] : memref<32x79x128xi32, #tpu.memory_space<hbm>> -> memref<1x79x128xi32, #tpu.memory_space<hbm>>
      %dma_start3A_44 = tpu.memref_squeeze %dma_start3A_43 : memref<1x79x128xi32, #tpu.memory_space<hbm>> -> memref<79x128xi32, #tpu.memory_space<hbm>>
      tpu.enqueue_dma source(%dma_start3A_44 : memref<79x128xi32, #tpu.memory_space<hbm>>) target(%arg6 : memref<79x128xi32, #tpu.memory_space<vmem>>) target_semaphore(%run_scoped3A : memref<!tpu.dma_semaphore, #tpu.memory_space<semaphore_mem>>)
      %dma_wait3A = arith.constant 0 : i32
      %dma_wait3A_45 = arith.constant 0 : i32
      %dma_wait3A_46 = tpu.memref_slice %arg3[%add3A, %dma_wait3A, %dma_wait3A_45] : memref<32x79x128xi32, #tpu.memory_space<hbm>> -> memref<1x79x128xi32, #tpu.memory_space<hbm>>
      %dma_wait3A_47 = tpu.memref_squeeze %dma_wait3A_46 : memref<1x79x128xi32, #tpu.memory_space<hbm>> -> memref<79x128xi32, #tpu.memory_space<hbm>>
      %dma_wait3A_48 = arith.constant 0 : i32
      %dma_wait3A_49 = arith.constant 0 : i32
      %dma_wait3A_50 = tpu.memref_slice %arg3[%add3A, %dma_wait3A_48, %dma_wait3A_49] : memref<32x79x128xi32, #tpu.memory_space<hbm>> -> memref<1x79x128xi32, #tpu.memory_space<hbm>>
      %dma_wait3A_51 = tpu.memref_squeeze %dma_wait3A_50 : memref<1x79x128xi32, #tpu.memory_space<hbm>> -> memref<79x128xi32, #tpu.memory_space<hbm>>
      tpu.wait_dma2 semaphore(%run_scoped3A : memref<!tpu.dma_semaphore, #tpu.memory_space<semaphore_mem>>) src(%dma_wait3A_51 : memref<79x128xi32, #tpu.memory_space<hbm>>) dst(%arg6 : memref<79x128xi32, #tpu.memory_space<vmem>>)
      tpu.yield
    }) : () -> ()
    "tpu.region"() ({
      %run_scoped3A = tpu.sem_alloc : memref<!tpu.dma_semaphore, #tpu.memory_space<semaphore_mem>>
      %dma_start3A = arith.constant 0 : i32
      %dma_start3A_38 = arith.constant 0 : i32
      %dma_start3A_39 = tpu.memref_slice %arg4[%add3A, %dma_start3A, %dma_start3A_38] : memref<32x79x128xi32, #tpu.memory_space<hbm>> -> memref<1x79x128xi32, #tpu.memory_space<hbm>>
      %dma_start3A_40 = tpu.memref_squeeze %dma_start3A_39 : memref<1x79x128xi32, #tpu.memory_space<hbm>> -> memref<79x128xi32, #tpu.memory_space<hbm>>
      %dma_start3A_41 = arith.constant 0 : i32
      %dma_start3A_42 = arith.constant 0 : i32
      %dma_start3A_43 = tpu.memref_slice %arg4[%add3A, %dma_start3A_41, %dma_start3A_42] : memref<32x79x128xi32, #tpu.memory_space<hbm>> -> memref<1x79x128xi32, #tpu.memory_space<hbm>>
      %dma_start3A_44 = tpu.memref_squeeze %dma_start3A_43 : memref<1x79x128xi32, #tpu.memory_space<hbm>> -> memref<79x128xi32, #tpu.memory_space<hbm>>
      tpu.enqueue_dma source(%dma_start3A_44 : memref<79x128xi32, #tpu.memory_space<hbm>>) target(%arg7 : memref<79x128xi32, #tpu.memory_space<vmem>>) target_semaphore(%run_scoped3A : memref<!tpu.dma_semaphore, #tpu.memory_space<semaphore_mem>>)
      %dma_wait3A = arith.constant 0 : i32
      %dma_wait3A_45 = arith.constant 0 : i32
      %dma_wait3A_46 = tpu.memref_slice %arg4[%add3A, %dma_wait3A, %dma_wait3A_45] : memref<32x79x128xi32, #tpu.memory_space<hbm>> -> memref<1x79x128xi32, #tpu.memory_space<hbm>>
      %dma_wait3A_47 = tpu.memref_squeeze %dma_wait3A_46 : memref<1x79x128xi32, #tpu.memory_space<hbm>> -> memref<79x128xi32, #tpu.memory_space<hbm>>
      %dma_wait3A_48 = arith.constant 0 : i32
      %dma_wait3A_49 = arith.constant 0 : i32
      %dma_wait3A_50 = tpu.memref_slice %arg4[%add3A, %dma_wait3A_48, %dma_wait3A_49] : memref<32x79x128xi32, #tpu.memory_space<hbm>> -> memref<1x79x128xi32, #tpu.memory_space<hbm>>
      %dma_wait3A_51 = tpu.memref_squeeze %dma_wait3A_50 : memref<1x79x128xi32, #tpu.memory_space<hbm>> -> memref<79x128xi32, #tpu.memory_space<hbm>>
      tpu.wait_dma2 semaphore(%run_scoped3A : memref<!tpu.dma_semaphore, #tpu.memory_space<semaphore_mem>>) src(%dma_wait3A_51 : memref<79x128xi32, #tpu.memory_space<hbm>>) dst(%arg7 : memref<79x128xi32, #tpu.memory_space<vmem>>)
      tpu.yield
    }) : () -> ()
    %scan3A_27 = arith.constant 0 : i32
    %scan3A_28 = arith.constant 0 : i32
    %scan3A_29 = arith.constant 79 : i32
    %scan3A_30 = arith.addi %scan3A_28, %scan3A_29 : i32
    %scan3A_31 = arith.constant 1 : i32
    scf.for %scan3A_38 = %scan3A_28 to %scan3A_30 step %scan3A_31  : i32 {
      %dma_start3A = arith.constant 0 : i32
      %dma_start3A_39 = tpu.memref_slice %arg6[%scan3A_38, %dma_start3A] : memref<79x128xi32, #tpu.memory_space<vmem>> -> memref<1x128xi32, #tpu.memory_space<vmem>>
      %dma_start3A_40 = tpu.memref_squeeze %dma_start3A_39 : memref<1x128xi32, #tpu.memory_space<vmem>> -> memref<128xi32, #tpu.memory_space<vmem>>
      %dma_start3A_41 = arith.constant 0 : i32
      %dma_start3A_42 = arith.constant 0 : i32
      %dma_start3A_43 = tpu.memref_slice %arg2[%dma_start3A_41, %dma_start3A_42] : memref<10000x128xf32, #tpu.memory_space<hbm>> -> memref<10000x128xf32, #tpu.memory_space<hbm>>
      tpu.enqueue_indirect_dma source(%dma_start3A_43 : memref<10000x128xf32, #tpu.memory_space<hbm>>) target(%arg8 : memref<128x128xf32, #tpu.memory_space<vmem>>) offsets(%dma_start3A_40 : memref<128xi32, #tpu.memory_space<vmem>>) semaphore(%arg10 : memref<!tpu.dma_semaphore, #tpu.memory_space<semaphore_mem>>)
      %dma_wait3A = arith.constant 0 : i32
      %dma_wait3A_44 = tpu.memref_slice %arg6[%scan3A_38, %dma_wait3A] : memref<79x128xi32, #tpu.memory_space<vmem>> -> memref<1x128xi32, #tpu.memory_space<vmem>>
      %dma_wait3A_45 = tpu.memref_squeeze %dma_wait3A_44 : memref<1x128xi32, #tpu.memory_space<vmem>> -> memref<128xi32, #tpu.memory_space<vmem>>
      %dma_wait3A_46 = arith.constant 0 : i32
      %dma_wait3A_47 = arith.constant 0 : i32
      %dma_wait3A_48 = tpu.memref_slice %arg2[%dma_wait3A_46, %dma_wait3A_47] : memref<10000x128xf32, #tpu.memory_space<hbm>> -> memref<10000x128xf32, #tpu.memory_space<hbm>>
      tpu.wait_indirect_dma semaphore(%arg10 : memref<!tpu.dma_semaphore, #tpu.memory_space<semaphore_mem>>) src(%dma_wait3A_48 : memref<10000x128xf32, #tpu.memory_space<hbm>>) dst(%arg8 : memref<128x128xf32, #tpu.memory_space<vmem>>)
      "tpu.region"() ({
        %run_scoped3A = tpu.sem_alloc : memref<!tpu.dma_semaphore, #tpu.memory_space<semaphore_mem>>
        %dma_start3A_49 = arith.constant 0 : i32
        %dma_start3A_50 = tpu.memref_slice %arg7[%scan3A_38, %dma_start3A_49] : memref<79x128xi32, #tpu.memory_space<vmem>> -> memref<1x128xi32, #tpu.memory_space<vmem>>
        %dma_start3A_51 = tpu.memref_squeeze %dma_start3A_50 : memref<1x128xi32, #tpu.memory_space<vmem>> -> memref<128xi32, #tpu.memory_space<vmem>>
        %dma_start3A_52 = arith.constant 0 : i32
        %dma_start3A_53 = arith.constant 0 : i32
        %dma_start3A_54 = tpu.memref_slice %arg9[%dma_start3A_52, %dma_start3A_53] : memref<10240x128xf32, #tpu.memory_space<vmem_shared>> -> memref<10240x128xf32, #tpu.memory_space<vmem_shared>>
        tpu.enqueue_indirect_dma source(%arg8 : memref<128x128xf32, #tpu.memory_space<vmem>>) target(%dma_start3A_54 : memref<10240x128xf32, #tpu.memory_space<vmem_shared>>) offsets(%dma_start3A_51 : memref<128xi32, #tpu.memory_space<vmem>>) semaphore(%run_scoped3A : memref<!tpu.dma_semaphore, #tpu.memory_space<semaphore_mem>>) {add = true}
        %dma_wait3A_55 = arith.constant 0 : i32
        %dma_wait3A_56 = tpu.memref_slice %arg7[%scan3A_38, %dma_wait3A_55] : memref<79x128xi32, #tpu.memory_space<vmem>> -> memref<1x128xi32, #tpu.memory_space<vmem>>
        %dma_wait3A_57 = tpu.memref_squeeze %dma_wait3A_56 : memref<1x128xi32, #tpu.memory_space<vmem>> -> memref<128xi32, #tpu.memory_space<vmem>>
        %dma_wait3A_58 = arith.constant 0 : i32
        %dma_wait3A_59 = arith.constant 0 : i32
        %dma_wait3A_60 = tpu.memref_slice %arg9[%dma_wait3A_58, %dma_wait3A_59] : memref<10240x128xf32, #tpu.memory_space<vmem_shared>> -> memref<10240x128xf32, #tpu.memory_space<vmem_shared>>
        tpu.wait_indirect_dma semaphore(%run_scoped3A : memref<!tpu.dma_semaphore, #tpu.memory_space<semaphore_mem>>) src(%arg8 : memref<128x128xf32, #tpu.memory_space<vmem>>) dst(%dma_wait3A_60 : memref<10240x128xf32, #tpu.memory_space<vmem_shared>>)
        tpu.yield
      }) : () -> ()
    }
    %scan3A_32 = arith.constant 79 : i32
    %barrier3A_33 = arith.constant 0 : index
    tpu.barrier barrier_id(%barrier3A_33)
    %mul3A_34 = arith.constant 640 : i32
    %mul3A_35 = arith.muli %arg1, %mul3A_34 : i32
    %mul3A_36 = arith.constant 640 : i32
    %mul3A_37 = arith.muli %arg1, %mul3A_36 : i32
    "tpu.region"() ({
      %run_scoped3A = tpu.sem_alloc : memref<!tpu.dma_semaphore, #tpu.memory_space<semaphore_mem>>
      %dma_start3A = arith.constant 0 : i32
      %dma_start3A_38 = tpu.memref_slice %arg5[%arg0, %mul3A_37, %dma_start3A] : memref<2x10240x128xf32, #tpu.memory_space<hbm>> -> memref<1x640x128xf32, #tpu.memory_space<hbm>>
      %dma_start3A_39 = tpu.memref_squeeze %dma_start3A_38 : memref<1x640x128xf32, #tpu.memory_space<hbm>> -> memref<640x128xf32, #tpu.memory_space<hbm>>
      %dma_start3A_40 = arith.constant 0 : i32
      %dma_start3A_41 = tpu.memref_slice %arg9[%mul3A_35, %dma_start3A_40] : memref<10240x128xf32, #tpu.memory_space<vmem_shared>> -> memref<640x128xf32, #tpu.memory_space<vmem_shared>>
      tpu.enqueue_dma source(%dma_start3A_41 : memref<640x128xf32, #tpu.memory_space<vmem_shared>>) target(%dma_start3A_39 : memref<640x128xf32, #tpu.memory_space<hbm>>) target_semaphore(%run_scoped3A : memref<!tpu.dma_semaphore, #tpu.memory_space<semaphore_mem>>)
      %dma_wait3A = arith.constant 0 : i32
      %dma_wait3A_42 = tpu.memref_slice %arg5[%arg0, %mul3A_37, %dma_wait3A] : memref<2x10240x128xf32, #tpu.memory_space<hbm>> -> memref<1x640x128xf32, #tpu.memory_space<hbm>>
      %dma_wait3A_43 = tpu.memref_squeeze %dma_wait3A_42 : memref<1x640x128xf32, #tpu.memory_space<hbm>> -> memref<640x128xf32, #tpu.memory_space<hbm>>
      %dma_wait3A_44 = arith.constant 0 : i32
      %dma_wait3A_45 = tpu.memref_slice %arg9[%mul3A_35, %dma_wait3A_44] : memref<10240x128xf32, #tpu.memory_space<vmem_shared>> -> memref<640x128xf32, #tpu.memory_space<vmem_shared>>
      tpu.wait_dma2 semaphore(%run_scoped3A : memref<!tpu.dma_semaphore, #tpu.memory_space<semaphore_mem>>) src(%dma_wait3A_45 : memref<640x128xf32, #tpu.memory_space<vmem_shared>>) dst(%dma_wait3A_43 : memref<640x128xf32, #tpu.memory_space<hbm>>)
      tpu.yield
    }) : () -> ()
    return
  }
}

#map = affine_map<(d0, d1) -> (0, 0)>
#map1 = affine_map<(d0, d1) -> (0, 0, 0)>
module attributes {stable_mosaic.version = 14 : i64} {
  func.func @seg(%arg0: i32, %arg1: i32, %arg2: memref<10240x128xf32, #tpu.memory_space<hbm>>, %arg3: memref<32x79x128xi32, #tpu.memory_space<hbm>>, %arg4: memref<32x79x128xi32, #tpu.memory_space<hbm>>, %arg5: memref<2x10240x128xf32, #tpu.memory_space<hbm>>, %arg6: memref<79x128xi32, #tpu.memory_space<vmem>>, %arg7: memref<79x128xi32, #tpu.memory_space<vmem>>, %arg8: memref<128x128xf32, #tpu.memory_space<vmem>>, %arg9: memref<10240x128xf32, #tpu.memory_space<vmem_shared>>, %arg10: memref<!tpu.dma_semaphore, #tpu.memory_space<semaphore_mem>>) attributes {dimension_semantics = [#tpu.dimension_semantics<core_parallel>, #tpu.dimension_semantics<subcore_parallel>], iteration_bounds = array<i64: 2, 16>, scalar_prefetch = 0 : i64, scratch_operands = 5 : i64, tpu.core_type = #tpu.core_type<sc_vector_subcore>, window_params = [{transform_indices = #map}, {transform_indices = #map1}, {transform_indices = #map1}, {transform_indices = #map1}]} {
    %mul3A = arith.constant 2 : i32
    %mul3A_0 = arith.muli %arg1, %mul3A : i32
    %add3A = arith.addi %mul3A_0, %arg0 : i32
    %broadcast_in_dim3A = arith.constant 0.000000e+00 : f32
    %broadcast_in_dim3A_1 = vector.broadcast %broadcast_in_dim3A : f32 to vector<16xf32>
    %scan3A = arith.constant 0 : i32
    %scan3A_2 = arith.constant 0 : i32
    %scan3A_3 = arith.constant 128 : i32
    %scan3A_4 = arith.addi %scan3A_2, %scan3A_3 : i32
    %scan3A_5 = arith.constant 1 : i32
    scf.for %scan3A_38 = %scan3A_2 to %scan3A_4 step %scan3A_5  : i32 {
      %swap3A = arith.index_cast %scan3A_38 : i32 to index
      %swap3A_39 = arith.constant 0 : index
      %swap3A_40 = tpu.vector_load %arg8[%swap3A, %swap3A_39] {strides = array<i32>} : memref<128x128xf32, #tpu.memory_space<vmem>>, vector<1x16xf32>,
      %swap3A_41 = vector.shape_cast %swap3A_40 : vector<1x16xf32> to vector<16xf32>
      %swap3A_42 = vector.shape_cast %broadcast_in_dim3A_1 : vector<16xf32> to vector<1x16xf32>
      tpu.vector_store %arg8[%swap3A, %swap3A_39], %swap3A_42 {strides = array<i32>} : memref<128x128xf32, #tpu.memory_space<vmem>>, vector<1x16xf32>,
      %swap3A_43 = arith.index_cast %scan3A_38 : i32 to index
      %swap3A_44 = arith.constant 16 : index
      %swap3A_45 = tpu.vector_load %arg8[%swap3A_43, %swap3A_44] {strides = array<i32>} : memref<128x128xf32, #tpu.memory_space<vmem>>, vector<1x16xf32>,
      %swap3A_46 = vector.shape_cast %swap3A_45 : vector<1x16xf32> to vector<16xf32>
      %swap3A_47 = vector.shape_cast %broadcast_in_dim3A_1 : vector<16xf32> to vector<1x16xf32>
      tpu.vector_store %arg8[%swap3A_43, %swap3A_44], %swap3A_47 {strides = array<i32>} : memref<128x128xf32, #tpu.memory_space<vmem>>, vector<1x16xf32>,
      %swap3A_48 = arith.index_cast %scan3A_38 : i32 to index
      %swap3A_49 = arith.constant 32 : index
      %swap3A_50 = tpu.vector_load %arg8[%swap3A_48, %swap3A_49] {strides = array<i32>} : memref<128x128xf32, #tpu.memory_space<vmem>>, vector<1x16xf32>,
      %swap3A_51 = vector.shape_cast %swap3A_50 : vector<1x16xf32> to vector<16xf32>
      %swap3A_52 = vector.shape_cast %broadcast_in_dim3A_1 : vector<16xf32> to vector<1x16xf32>
      tpu.vector_store %arg8[%swap3A_48, %swap3A_49], %swap3A_52 {strides = array<i32>} : memref<128x128xf32, #tpu.memory_space<vmem>>, vector<1x16xf32>,
      %swap3A_53 = arith.index_cast %scan3A_38 : i32 to index
      %swap3A_54 = arith.constant 48 : index
      %swap3A_55 = tpu.vector_load %arg8[%swap3A_53, %swap3A_54] {strides = array<i32>} : memref<128x128xf32, #tpu.memory_space<vmem>>, vector<1x16xf32>,
      %swap3A_56 = vector.shape_cast %swap3A_55 : vector<1x16xf32> to vector<16xf32>
      %swap3A_57 = vector.shape_cast %broadcast_in_dim3A_1 : vector<16xf32> to vector<1x16xf32>
      tpu.vector_store %arg8[%swap3A_53, %swap3A_54], %swap3A_57 {strides = array<i32>} : memref<128x128xf32, #tpu.memory_space<vmem>>, vector<1x16xf32>,
      %swap3A_58 = arith.index_cast %scan3A_38 : i32 to index
      %swap3A_59 = arith.constant 64 : index
      %swap3A_60 = tpu.vector_load %arg8[%swap3A_58, %swap3A_59] {strides = array<i32>} : memref<128x128xf32, #tpu.memory_space<vmem>>, vector<1x16xf32>,
      %swap3A_61 = vector.shape_cast %swap3A_60 : vector<1x16xf32> to vector<16xf32>
      %swap3A_62 = vector.shape_cast %broadcast_in_dim3A_1 : vector<16xf32> to vector<1x16xf32>
      tpu.vector_store %arg8[%swap3A_58, %swap3A_59], %swap3A_62 {strides = array<i32>} : memref<128x128xf32, #tpu.memory_space<vmem>>, vector<1x16xf32>,
      %swap3A_63 = arith.index_cast %scan3A_38 : i32 to index
      %swap3A_64 = arith.constant 80 : index
      %swap3A_65 = tpu.vector_load %arg8[%swap3A_63, %swap3A_64] {strides = array<i32>} : memref<128x128xf32, #tpu.memory_space<vmem>>, vector<1x16xf32>,
      %swap3A_66 = vector.shape_cast %swap3A_65 : vector<1x16xf32> to vector<16xf32>
      %swap3A_67 = vector.shape_cast %broadcast_in_dim3A_1 : vector<16xf32> to vector<1x16xf32>
      tpu.vector_store %arg8[%swap3A_63, %swap3A_64], %swap3A_67 {strides = array<i32>} : memref<128x128xf32, #tpu.memory_space<vmem>>, vector<1x16xf32>,
      %swap3A_68 = arith.index_cast %scan3A_38 : i32 to index
      %swap3A_69 = arith.constant 96 : index
      %swap3A_70 = tpu.vector_load %arg8[%swap3A_68, %swap3A_69] {strides = array<i32>} : memref<128x128xf32, #tpu.memory_space<vmem>>, vector<1x16xf32>,
      %swap3A_71 = vector.shape_cast %swap3A_70 : vector<1x16xf32> to vector<16xf32>
      %swap3A_72 = vector.shape_cast %broadcast_in_dim3A_1 : vector<16xf32> to vector<1x16xf32>
      tpu.vector_store %arg8[%swap3A_68, %swap3A_69], %swap3A_72 {strides = array<i32>} : memref<128x128xf32, #tpu.memory_space<vmem>>, vector<1x16xf32>,
      %swap3A_73 = arith.index_cast %scan3A_38 : i32 to index
      %swap3A_74 = arith.constant 112 : index
      %swap3A_75 = tpu.vector_load %arg8[%swap3A_73, %swap3A_74] {strides = array<i32>} : memref<128x128xf32, #tpu.memory_space<vmem>>, vector<1x16xf32>,
      %swap3A_76 = vector.shape_cast %swap3A_75 : vector<1x16xf32> to vector<16xf32>
      %swap3A_77 = vector.shape_cast %broadcast_in_dim3A_1 : vector<16xf32> to vector<1x16xf32>
      tpu.vector_store %arg8[%swap3A_73, %swap3A_74], %swap3A_77 {strides = array<i32>} : memref<128x128xf32, #tpu.memory_space<vmem>>, vector<1x16xf32>,
    }
    %scan3A_6 = arith.constant 128 : i32
    %mul3A_7 = arith.constant 640 : i32
    %mul3A_8 = arith.muli %arg1, %mul3A_7 : i32
    %add3A_9 = arith.constant 0 : i32
    %add3A_10 = arith.addi %mul3A_8, %add3A_9 : i32
    "tpu.region"() ({
      %run_scoped3A = tpu.sem_alloc : memref<!tpu.dma_semaphore, #tpu.memory_space<semaphore_mem>>
      %dma_start3A = arith.constant 0 : i32
      %dma_start3A_38 = tpu.memref_slice %arg9[%add3A_10, %dma_start3A] : memref<10240x128xf32, #tpu.memory_space<vmem_shared>> -> memref<128x128xf32, #tpu.memory_space<vmem_shared>>
      %dma_start3A_39 = arith.constant 0 : i32
      %dma_start3A_40 = tpu.memref_slice %arg9[%add3A_10, %dma_start3A_39] : memref<10240x128xf32, #tpu.memory_space<vmem_shared>> -> memref<128x128xf32, #tpu.memory_space<vmem_shared>>
      tpu.enqueue_dma source(%arg8 : memref<128x128xf32, #tpu.memory_space<vmem>>) target(%dma_start3A_40 : memref<128x128xf32, #tpu.memory_space<vmem_shared>>) target_semaphore(%run_scoped3A : memref<!tpu.dma_semaphore, #tpu.memory_space<semaphore_mem>>)
      %dma_wait3A = arith.constant 0 : i32
      %dma_wait3A_41 = tpu.memref_slice %arg9[%add3A_10, %dma_wait3A] : memref<10240x128xf32, #tpu.memory_space<vmem_shared>> -> memref<128x128xf32, #tpu.memory_space<vmem_shared>>
      %dma_wait3A_42 = arith.constant 0 : i32
      %dma_wait3A_43 = tpu.memref_slice %arg9[%add3A_10, %dma_wait3A_42] : memref<10240x128xf32, #tpu.memory_space<vmem_shared>> -> memref<128x128xf32, #tpu.memory_space<vmem_shared>>
      tpu.wait_dma2 semaphore(%run_scoped3A : memref<!tpu.dma_semaphore, #tpu.memory_space<semaphore_mem>>) src(%arg8 : memref<128x128xf32, #tpu.memory_space<vmem>>) dst(%dma_wait3A_43 : memref<128x128xf32, #tpu.memory_space<vmem_shared>>)
      tpu.yield
    }) : () -> ()
    %mul3A_11 = arith.constant 640 : i32
    %mul3A_12 = arith.muli %arg1, %mul3A_11 : i32
    %add3A_13 = arith.constant 128 : i32
    %add3A_14 = arith.addi %mul3A_12, %add3A_13 : i32
    "tpu.region"() ({
      %run_scoped3A = tpu.sem_alloc : memref<!tpu.dma_semaphore, #tpu.memory_space<semaphore_mem>>
      %dma_start3A = arith.constant 0 : i32
      %dma_start3A_38 = tpu.memref_slice %arg9[%add3A_14, %dma_start3A] : memref<10240x128xf32, #tpu.memory_space<vmem_shared>> -> memref<128x128xf32, #tpu.memory_space<vmem_shared>>
      %dma_start3A_39 = arith.constant 0 : i32
      %dma_start3A_40 = tpu.memref_slice %arg9[%add3A_14, %dma_start3A_39] : memref<10240x128xf32, #tpu.memory_space<vmem_shared>> -> memref<128x128xf32, #tpu.memory_space<vmem_shared>>
      tpu.enqueue_dma source(%arg8 : memref<128x128xf32, #tpu.memory_space<vmem>>) target(%dma_start3A_40 : memref<128x128xf32, #tpu.memory_space<vmem_shared>>) target_semaphore(%run_scoped3A : memref<!tpu.dma_semaphore, #tpu.memory_space<semaphore_mem>>)
      %dma_wait3A = arith.constant 0 : i32
      %dma_wait3A_41 = tpu.memref_slice %arg9[%add3A_14, %dma_wait3A] : memref<10240x128xf32, #tpu.memory_space<vmem_shared>> -> memref<128x128xf32, #tpu.memory_space<vmem_shared>>
      %dma_wait3A_42 = arith.constant 0 : i32
      %dma_wait3A_43 = tpu.memref_slice %arg9[%add3A_14, %dma_wait3A_42] : memref<10240x128xf32, #tpu.memory_space<vmem_shared>> -> memref<128x128xf32, #tpu.memory_space<vmem_shared>>
      tpu.wait_dma2 semaphore(%run_scoped3A : memref<!tpu.dma_semaphore, #tpu.memory_space<semaphore_mem>>) src(%arg8 : memref<128x128xf32, #tpu.memory_space<vmem>>) dst(%dma_wait3A_43 : memref<128x128xf32, #tpu.memory_space<vmem_shared>>)
      tpu.yield
    }) : () -> ()
    %mul3A_15 = arith.constant 640 : i32
    %mul3A_16 = arith.muli %arg1, %mul3A_15 : i32
    %add3A_17 = arith.constant 256 : i32
    %add3A_18 = arith.addi %mul3A_16, %add3A_17 : i32
    "tpu.region"() ({
      %run_scoped3A = tpu.sem_alloc : memref<!tpu.dma_semaphore, #tpu.memory_space<semaphore_mem>>
      %dma_start3A = arith.constant 0 : i32
      %dma_start3A_38 = tpu.memref_slice %arg9[%add3A_18, %dma_start3A] : memref<10240x128xf32, #tpu.memory_space<vmem_shared>> -> memref<128x128xf32, #tpu.memory_space<vmem_shared>>
      %dma_start3A_39 = arith.constant 0 : i32
      %dma_start3A_40 = tpu.memref_slice %arg9[%add3A_18, %dma_start3A_39] : memref<10240x128xf32, #tpu.memory_space<vmem_shared>> -> memref<128x128xf32, #tpu.memory_space<vmem_shared>>
      tpu.enqueue_dma source(%arg8 : memref<128x128xf32, #tpu.memory_space<vmem>>) target(%dma_start3A_40 : memref<128x128xf32, #tpu.memory_space<vmem_shared>>) target_semaphore(%run_scoped3A : memref<!tpu.dma_semaphore, #tpu.memory_space<semaphore_mem>>)
      %dma_wait3A = arith.constant 0 : i32
      %dma_wait3A_41 = tpu.memref_slice %arg9[%add3A_18, %dma_wait3A] : memref<10240x128xf32, #tpu.memory_space<vmem_shared>> -> memref<128x128xf32, #tpu.memory_space<vmem_shared>>
      %dma_wait3A_42 = arith.constant 0 : i32
      %dma_wait3A_43 = tpu.memref_slice %arg9[%add3A_18, %dma_wait3A_42] : memref<10240x128xf32, #tpu.memory_space<vmem_shared>> -> memref<128x128xf32, #tpu.memory_space<vmem_shared>>
      tpu.wait_dma2 semaphore(%run_scoped3A : memref<!tpu.dma_semaphore, #tpu.memory_space<semaphore_mem>>) src(%arg8 : memref<128x128xf32, #tpu.memory_space<vmem>>) dst(%dma_wait3A_43 : memref<128x128xf32, #tpu.memory_space<vmem_shared>>)
      tpu.yield
    }) : () -> ()
    %mul3A_19 = arith.constant 640 : i32
    %mul3A_20 = arith.muli %arg1, %mul3A_19 : i32
    %add3A_21 = arith.constant 384 : i32
    %add3A_22 = arith.addi %mul3A_20, %add3A_21 : i32
    "tpu.region"() ({
      %run_scoped3A = tpu.sem_alloc : memref<!tpu.dma_semaphore, #tpu.memory_space<semaphore_mem>>
      %dma_start3A = arith.constant 0 : i32
      %dma_start3A_38 = tpu.memref_slice %arg9[%add3A_22, %dma_start3A] : memref<10240x128xf32, #tpu.memory_space<vmem_shared>> -> memref<128x128xf32, #tpu.memory_space<vmem_shared>>
      %dma_start3A_39 = arith.constant 0 : i32
      %dma_start3A_40 = tpu.memref_slice %arg9[%add3A_22, %dma_start3A_39] : memref<10240x128xf32, #tpu.memory_space<vmem_shared>> -> memref<128x128xf32, #tpu.memory_space<vmem_shared>>
      tpu.enqueue_dma source(%arg8 : memref<128x128xf32, #tpu.memory_space<vmem>>) target(%dma_start3A_40 : memref<128x128xf32, #tpu.memory_space<vmem_shared>>) target_semaphore(%run_scoped3A : memref<!tpu.dma_semaphore, #tpu.memory_space<semaphore_mem>>)
      %dma_wait3A = arith.constant 0 : i32
      %dma_wait3A_41 = tpu.memref_slice %arg9[%add3A_22, %dma_wait3A] : memref<10240x128xf32, #tpu.memory_space<vmem_shared>> -> memref<128x128xf32, #tpu.memory_space<vmem_shared>>
      %dma_wait3A_42 = arith.constant 0 : i32
      %dma_wait3A_43 = tpu.memref_slice %arg9[%add3A_22, %dma_wait3A_42] : memref<10240x128xf32, #tpu.memory_space<vmem_shared>> -> memref<128x128xf32, #tpu.memory_space<vmem_shared>>
      tpu.wait_dma2 semaphore(%run_scoped3A : memref<!tpu.dma_semaphore, #tpu.memory_space<semaphore_mem>>) src(%arg8 : memref<128x128xf32, #tpu.memory_space<vmem>>) dst(%dma_wait3A_43 : memref<128x128xf32, #tpu.memory_space<vmem_shared>>)
      tpu.yield
    }) : () -> ()
    %mul3A_23 = arith.constant 640 : i32
    %mul3A_24 = arith.muli %arg1, %mul3A_23 : i32
    %add3A_25 = arith.constant 512 : i32
    %add3A_26 = arith.addi %mul3A_24, %add3A_25 : i32
    "tpu.region"() ({
      %run_scoped3A = tpu.sem_alloc : memref<!tpu.dma_semaphore, #tpu.memory_space<semaphore_mem>>
      %dma_start3A = arith.constant 0 : i32
      %dma_start3A_38 = tpu.memref_slice %arg9[%add3A_26, %dma_start3A] : memref<10240x128xf32, #tpu.memory_space<vmem_shared>> -> memref<128x128xf32, #tpu.memory_space<vmem_shared>>
      %dma_start3A_39 = arith.constant 0 : i32
      %dma_start3A_40 = tpu.memref_slice %arg9[%add3A_26, %dma_start3A_39] : memref<10240x128xf32, #tpu.memory_space<vmem_shared>> -> memref<128x128xf32, #tpu.memory_space<vmem_shared>>
      tpu.enqueue_dma source(%arg8 : memref<128x128xf32, #tpu.memory_space<vmem>>) target(%dma_start3A_40 : memref<128x128xf32, #tpu.memory_space<vmem_shared>>) target_semaphore(%run_scoped3A : memref<!tpu.dma_semaphore, #tpu.memory_space<semaphore_mem>>)
      %dma_wait3A = arith.constant 0 : i32
      %dma_wait3A_41 = tpu.memref_slice %arg9[%add3A_26, %dma_wait3A] : memref<10240x128xf32, #tpu.memory_space<vmem_shared>> -> memref<128x128xf32, #tpu.memory_space<vmem_shared>>
      %dma_wait3A_42 = arith.constant 0 : i32
      %dma_wait3A_43 = tpu.memref_slice %arg9[%add3A_26, %dma_wait3A_42] : memref<10240x128xf32, #tpu.memory_space<vmem_shared>> -> memref<128x128xf32, #tpu.memory_space<vmem_shared>>
      tpu.wait_dma2 semaphore(%run_scoped3A : memref<!tpu.dma_semaphore, #tpu.memory_space<semaphore_mem>>) src(%arg8 : memref<128x128xf32, #tpu.memory_space<vmem>>) dst(%dma_wait3A_43 : memref<128x128xf32, #tpu.memory_space<vmem_shared>>)
      tpu.yield
    }) : () -> ()
    %barrier3A = arith.constant 0 : index
    tpu.barrier barrier_id(%barrier3A)
    "tpu.region"() ({
      %run_scoped3A = tpu.sem_alloc : memref<!tpu.dma_semaphore, #tpu.memory_space<semaphore_mem>>
      %dma_start3A = arith.constant 0 : i32
      %dma_start3A_38 = arith.constant 0 : i32
      %dma_start3A_39 = tpu.memref_slice %arg3[%add3A, %dma_start3A, %dma_start3A_38] : memref<32x79x128xi32, #tpu.memory_space<hbm>> -> memref<1x79x128xi32, #tpu.memory_space<hbm>>
      %dma_start3A_40 = tpu.memref_squeeze %dma_start3A_39 : memref<1x79x128xi32, #tpu.memory_space<hbm>> -> memref<79x128xi32, #tpu.memory_space<hbm>>
      %dma_start3A_41 = arith.constant 0 : i32
      %dma_start3A_42 = arith.constant 0 : i32
      %dma_start3A_43 = tpu.memref_slice %arg3[%add3A, %dma_start3A_41, %dma_start3A_42] : memref<32x79x128xi32, #tpu.memory_space<hbm>> -> memref<1x79x128xi32, #tpu.memory_space<hbm>>
      %dma_start3A_44 = tpu.memref_squeeze %dma_start3A_43 : memref<1x79x128xi32, #tpu.memory_space<hbm>> -> memref<79x128xi32, #tpu.memory_space<hbm>>
      tpu.enqueue_dma source(%dma_start3A_44 : memref<79x128xi32, #tpu.memory_space<hbm>>) target(%arg6 : memref<79x128xi32, #tpu.memory_space<vmem>>) target_semaphore(%run_scoped3A : memref<!tpu.dma_semaphore, #tpu.memory_space<semaphore_mem>>)
      %dma_wait3A = arith.constant 0 : i32
      %dma_wait3A_45 = arith.constant 0 : i32
      %dma_wait3A_46 = tpu.memref_slice %arg3[%add3A, %dma_wait3A, %dma_wait3A_45] : memref<32x79x128xi32, #tpu.memory_space<hbm>> -> memref<1x79x128xi32, #tpu.memory_space<hbm>>
      %dma_wait3A_47 = tpu.memref_squeeze %dma_wait3A_46 : memref<1x79x128xi32, #tpu.memory_space<hbm>> -> memref<79x128xi32, #tpu.memory_space<hbm>>
      %dma_wait3A_48 = arith.constant 0 : i32
      %dma_wait3A_49 = arith.constant 0 : i32
      %dma_wait3A_50 = tpu.memref_slice %arg3[%add3A, %dma_wait3A_48, %dma_wait3A_49] : memref<32x79x128xi32, #tpu.memory_space<hbm>> -> memref<1x79x128xi32, #tpu.memory_space<hbm>>
      %dma_wait3A_51 = tpu.memref_squeeze %dma_wait3A_50 : memref<1x79x128xi32, #tpu.memory_space<hbm>> -> memref<79x128xi32, #tpu.memory_space<hbm>>
      tpu.wait_dma2 semaphore(%run_scoped3A : memref<!tpu.dma_semaphore, #tpu.memory_space<semaphore_mem>>) src(%dma_wait3A_51 : memref<79x128xi32, #tpu.memory_space<hbm>>) dst(%arg6 : memref<79x128xi32, #tpu.memory_space<vmem>>)
      tpu.yield
    }) : () -> ()
    "tpu.region"() ({
      %run_scoped3A = tpu.sem_alloc : memref<!tpu.dma_semaphore, #tpu.memory_space<semaphore_mem>>
      %dma_start3A = arith.constant 0 : i32
      %dma_start3A_38 = arith.constant 0 : i32
      %dma_start3A_39 = tpu.memref_slice %arg4[%add3A, %dma_start3A, %dma_start3A_38] : memref<32x79x128xi32, #tpu.memory_space<hbm>> -> memref<1x79x128xi32, #tpu.memory_space<hbm>>
      %dma_start3A_40 = tpu.memref_squeeze %dma_start3A_39 : memref<1x79x128xi32, #tpu.memory_space<hbm>> -> memref<79x128xi32, #tpu.memory_space<hbm>>
      %dma_start3A_41 = arith.constant 0 : i32
      %dma_start3A_42 = arith.constant 0 : i32
      %dma_start3A_43 = tpu.memref_slice %arg4[%add3A, %dma_start3A_41, %dma_start3A_42] : memref<32x79x128xi32, #tpu.memory_space<hbm>> -> memref<1x79x128xi32, #tpu.memory_space<hbm>>
      %dma_start3A_44 = tpu.memref_squeeze %dma_start3A_43 : memref<1x79x128xi32, #tpu.memory_space<hbm>> -> memref<79x128xi32, #tpu.memory_space<hbm>>
      tpu.enqueue_dma source(%dma_start3A_44 : memref<79x128xi32, #tpu.memory_space<hbm>>) target(%arg7 : memref<79x128xi32, #tpu.memory_space<vmem>>) target_semaphore(%run_scoped3A : memref<!tpu.dma_semaphore, #tpu.memory_space<semaphore_mem>>)
      %dma_wait3A = arith.constant 0 : i32
      %dma_wait3A_45 = arith.constant 0 : i32
      %dma_wait3A_46 = tpu.memref_slice %arg4[%add3A, %dma_wait3A, %dma_wait3A_45] : memref<32x79x128xi32, #tpu.memory_space<hbm>> -> memref<1x79x128xi32, #tpu.memory_space<hbm>>
      %dma_wait3A_47 = tpu.memref_squeeze %dma_wait3A_46 : memref<1x79x128xi32, #tpu.memory_space<hbm>> -> memref<79x128xi32, #tpu.memory_space<hbm>>
      %dma_wait3A_48 = arith.constant 0 : i32
      %dma_wait3A_49 = arith.constant 0 : i32
      %dma_wait3A_50 = tpu.memref_slice %arg4[%add3A, %dma_wait3A_48, %dma_wait3A_49] : memref<32x79x128xi32, #tpu.memory_space<hbm>> -> memref<1x79x128xi32, #tpu.memory_space<hbm>>
      %dma_wait3A_51 = tpu.memref_squeeze %dma_wait3A_50 : memref<1x79x128xi32, #tpu.memory_space<hbm>> -> memref<79x128xi32, #tpu.memory_space<hbm>>
      tpu.wait_dma2 semaphore(%run_scoped3A : memref<!tpu.dma_semaphore, #tpu.memory_space<semaphore_mem>>) src(%dma_wait3A_51 : memref<79x128xi32, #tpu.memory_space<hbm>>) dst(%arg7 : memref<79x128xi32, #tpu.memory_space<vmem>>)
      tpu.yield
    }) : () -> ()
    %scan3A_27 = arith.constant 0 : i32
    %scan3A_28 = arith.constant 0 : i32
    %scan3A_29 = arith.constant 79 : i32
    %scan3A_30 = arith.addi %scan3A_28, %scan3A_29 : i32
    %scan3A_31 = arith.constant 1 : i32
    scf.for %scan3A_38 = %scan3A_28 to %scan3A_30 step %scan3A_31  : i32 {
      %dma_start3A = arith.constant 0 : i32
      %dma_start3A_39 = tpu.memref_slice %arg6[%scan3A_38, %dma_start3A] : memref<79x128xi32, #tpu.memory_space<vmem>> -> memref<1x128xi32, #tpu.memory_space<vmem>>
      %dma_start3A_40 = tpu.memref_squeeze %dma_start3A_39 : memref<1x128xi32, #tpu.memory_space<vmem>> -> memref<128xi32, #tpu.memory_space<vmem>>
      %dma_start3A_41 = arith.constant 0 : i32
      %dma_start3A_42 = arith.constant 0 : i32
      %dma_start3A_43 = tpu.memref_slice %arg2[%dma_start3A_41, %dma_start3A_42] : memref<10240x128xf32, #tpu.memory_space<hbm>> -> memref<10240x128xf32, #tpu.memory_space<hbm>>
      tpu.enqueue_indirect_dma source(%dma_start3A_43 : memref<10240x128xf32, #tpu.memory_space<hbm>>) target(%arg8 : memref<128x128xf32, #tpu.memory_space<vmem>>) offsets(%dma_start3A_40 : memref<128xi32, #tpu.memory_space<vmem>>) semaphore(%arg10 : memref<!tpu.dma_semaphore, #tpu.memory_space<semaphore_mem>>)
      %dma_wait3A = arith.constant 0 : i32
      %dma_wait3A_44 = tpu.memref_slice %arg6[%scan3A_38, %dma_wait3A] : memref<79x128xi32, #tpu.memory_space<vmem>> -> memref<1x128xi32, #tpu.memory_space<vmem>>
      %dma_wait3A_45 = tpu.memref_squeeze %dma_wait3A_44 : memref<1x128xi32, #tpu.memory_space<vmem>> -> memref<128xi32, #tpu.memory_space<vmem>>
      %dma_wait3A_46 = arith.constant 0 : i32
      %dma_wait3A_47 = arith.constant 0 : i32
      %dma_wait3A_48 = tpu.memref_slice %arg2[%dma_wait3A_46, %dma_wait3A_47] : memref<10240x128xf32, #tpu.memory_space<hbm>> -> memref<10240x128xf32, #tpu.memory_space<hbm>>
      tpu.wait_indirect_dma semaphore(%arg10 : memref<!tpu.dma_semaphore, #tpu.memory_space<semaphore_mem>>) src(%dma_wait3A_48 : memref<10240x128xf32, #tpu.memory_space<hbm>>) dst(%arg8 : memref<128x128xf32, #tpu.memory_space<vmem>>)
      "tpu.region"() ({
        %run_scoped3A = tpu.sem_alloc : memref<!tpu.dma_semaphore, #tpu.memory_space<semaphore_mem>>
        %dma_start3A_49 = arith.constant 0 : i32
        %dma_start3A_50 = tpu.memref_slice %arg7[%scan3A_38, %dma_start3A_49] : memref<79x128xi32, #tpu.memory_space<vmem>> -> memref<1x128xi32, #tpu.memory_space<vmem>>
        %dma_start3A_51 = tpu.memref_squeeze %dma_start3A_50 : memref<1x128xi32, #tpu.memory_space<vmem>> -> memref<128xi32, #tpu.memory_space<vmem>>
        %dma_start3A_52 = arith.constant 0 : i32
        %dma_start3A_53 = arith.constant 0 : i32
        %dma_start3A_54 = tpu.memref_slice %arg9[%dma_start3A_52, %dma_start3A_53] : memref<10240x128xf32, #tpu.memory_space<vmem_shared>> -> memref<10240x128xf32, #tpu.memory_space<vmem_shared>>
        tpu.enqueue_indirect_dma source(%arg8 : memref<128x128xf32, #tpu.memory_space<vmem>>) target(%dma_start3A_54 : memref<10240x128xf32, #tpu.memory_space<vmem_shared>>) offsets(%dma_start3A_51 : memref<128xi32, #tpu.memory_space<vmem>>) semaphore(%run_scoped3A : memref<!tpu.dma_semaphore, #tpu.memory_space<semaphore_mem>>) {add = true}
        %dma_wait3A_55 = arith.constant 0 : i32
        %dma_wait3A_56 = tpu.memref_slice %arg7[%scan3A_38, %dma_wait3A_55] : memref<79x128xi32, #tpu.memory_space<vmem>> -> memref<1x128xi32, #tpu.memory_space<vmem>>
        %dma_wait3A_57 = tpu.memref_squeeze %dma_wait3A_56 : memref<1x128xi32, #tpu.memory_space<vmem>> -> memref<128xi32, #tpu.memory_space<vmem>>
        %dma_wait3A_58 = arith.constant 0 : i32
        %dma_wait3A_59 = arith.constant 0 : i32
        %dma_wait3A_60 = tpu.memref_slice %arg9[%dma_wait3A_58, %dma_wait3A_59] : memref<10240x128xf32, #tpu.memory_space<vmem_shared>> -> memref<10240x128xf32, #tpu.memory_space<vmem_shared>>
        tpu.wait_indirect_dma semaphore(%run_scoped3A : memref<!tpu.dma_semaphore, #tpu.memory_space<semaphore_mem>>) src(%arg8 : memref<128x128xf32, #tpu.memory_space<vmem>>) dst(%dma_wait3A_60 : memref<10240x128xf32, #tpu.memory_space<vmem_shared>>)
        tpu.yield
      }) : () -> ()
    }
    %scan3A_32 = arith.constant 79 : i32
    %barrier3A_33 = arith.constant 0 : index
    tpu.barrier barrier_id(%barrier3A_33)
    %mul3A_34 = arith.constant 640 : i32
    %mul3A_35 = arith.muli %arg1, %mul3A_34 : i32
    %mul3A_36 = arith.constant 640 : i32
    %mul3A_37 = arith.muli %arg1, %mul3A_36 : i32
    "tpu.region"() ({
      %run_scoped3A = tpu.sem_alloc : memref<!tpu.dma_semaphore, #tpu.memory_space<semaphore_mem>>
      %dma_start3A = arith.constant 0 : i32
      %dma_start3A_38 = tpu.memref_slice %arg5[%arg0, %mul3A_37, %dma_start3A] : memref<2x10240x128xf32, #tpu.memory_space<hbm>> -> memref<1x640x128xf32, #tpu.memory_space<hbm>>
      %dma_start3A_39 = tpu.memref_squeeze %dma_start3A_38 : memref<1x640x128xf32, #tpu.memory_space<hbm>> -> memref<640x128xf32, #tpu.memory_space<hbm>>
      %dma_start3A_40 = arith.constant 0 : i32
      %dma_start3A_41 = tpu.memref_slice %arg9[%mul3A_35, %dma_start3A_40] : memref<10240x128xf32, #tpu.memory_space<vmem_shared>> -> memref<640x128xf32, #tpu.memory_space<vmem_shared>>
      tpu.enqueue_dma source(%dma_start3A_41 : memref<640x128xf32, #tpu.memory_space<vmem_shared>>) target(%dma_start3A_39 : memref<640x128xf32, #tpu.memory_space<hbm>>) target_semaphore(%run_scoped3A : memref<!tpu.dma_semaphore, #tpu.memory_space<semaphore_mem>>)
      %dma_wait3A = arith.constant 0 : i32
      %dma_wait3A_42 = tpu.memref_slice %arg5[%arg0, %mul3A_37, %dma_wait3A] : memref<2x10240x128xf32, #tpu.memory_space<hbm>> -> memref<1x640x128xf32, #tpu.memory_space<hbm>>
      %dma_wait3A_43 = tpu.memref_squeeze %dma_wait3A_42 : memref<1x640x128xf32, #tpu.memory_space<hbm>> -> memref<640x128xf32, #tpu.memory_space<hbm>>
      %dma_wait3A_44 = arith.constant 0 : i32
      %dma_wait3A_45 = tpu.memref_slice %arg9[%mul3A_35, %dma_wait3A_44] : memref<10240x128xf32, #tpu.memory_space<vmem_shared>> -> memref<640x128xf32, #tpu.memory_space<vmem_shared>>
      tpu.wait_dma2 semaphore(%run_scoped3A : memref<!tpu.dma_semaphore, #tpu.memory_space<semaphore_mem>>) src(%dma_wait3A_45 : memref<640x128xf32, #tpu.memory_space<vmem_shared>>) dst(%dma_wait3A_43 : memref<640x128xf32, #tpu.memory_space<hbm>>)
      tpu.yield
    }) : () -> ()
    return
  }
}

#map = affine_map<(d0, d1) -> (0, 0)>
#map1 = affine_map<(d0, d1) -> (0, 0, 0)>
module attributes {stable_mosaic.version = 14 : i64} {
  func.func @seg(%arg0: i32, %arg1: i32, %arg2: memref<10240x128xf32, #tpu.memory_space<hbm>>, %arg3: memref<32x79x128xi32, #tpu.memory_space<hbm>>, %arg4: memref<32x79x128xi32, #tpu.memory_space<hbm>>, %arg5: memref<2x10240x128xf32, #tpu.memory_space<hbm>>, %arg6: memref<79x128xi32, #tpu.memory_space<vmem>>, %arg7: memref<79x128xi32, #tpu.memory_space<vmem>>, %arg8: memref<128x128xf32, #tpu.memory_space<vmem>>, %arg9: memref<10240x128xf32, #tpu.memory_space<vmem_shared>>, %arg10: memref<!tpu.dma_semaphore, #tpu.memory_space<semaphore_mem>>) attributes {dimension_semantics = [#tpu.dimension_semantics<core_parallel>, #tpu.dimension_semantics<subcore_parallel>], iteration_bounds = array<i64: 2, 16>, scalar_prefetch = 0 : i64, scratch_operands = 5 : i64, tpu.core_type = #tpu.core_type<sc_vector_subcore>, window_params = [{transform_indices = #map}, {transform_indices = #map1}, {transform_indices = #map1}, {transform_indices = #map1}]} {
    %mul3A = arith.constant 2 : i32
    %mul3A_0 = arith.muli %arg1, %mul3A : i32
    %add3A = arith.addi %mul3A_0, %arg0 : i32
    %broadcast_in_dim3A = arith.constant 0.000000e+00 : f32
    %broadcast_in_dim3A_1 = vector.broadcast %broadcast_in_dim3A : f32 to vector<16xf32>
    %scan3A = arith.constant 0 : i32
    %scan3A_2 = arith.constant 0 : i32
    %scan3A_3 = arith.constant 128 : i32
    %scan3A_4 = arith.addi %scan3A_2, %scan3A_3 : i32
    %scan3A_5 = arith.constant 1 : i32
    scf.for %scan3A_38 = %scan3A_2 to %scan3A_4 step %scan3A_5  : i32 {
      %swap3A = arith.index_cast %scan3A_38 : i32 to index
      %swap3A_39 = arith.constant 0 : index
      %swap3A_40 = tpu.vector_load %arg8[%swap3A, %swap3A_39] {strides = array<i32>} : memref<128x128xf32, #tpu.memory_space<vmem>>, vector<1x16xf32>,
      %swap3A_41 = vector.shape_cast %swap3A_40 : vector<1x16xf32> to vector<16xf32>
      %swap3A_42 = vector.shape_cast %broadcast_in_dim3A_1 : vector<16xf32> to vector<1x16xf32>
      tpu.vector_store %arg8[%swap3A, %swap3A_39], %swap3A_42 {strides = array<i32>} : memref<128x128xf32, #tpu.memory_space<vmem>>, vector<1x16xf32>,
      %swap3A_43 = arith.index_cast %scan3A_38 : i32 to index
      %swap3A_44 = arith.constant 16 : index
      %swap3A_45 = tpu.vector_load %arg8[%swap3A_43, %swap3A_44] {strides = array<i32>} : memref<128x128xf32, #tpu.memory_space<vmem>>, vector<1x16xf32>,
      %swap3A_46 = vector.shape_cast %swap3A_45 : vector<1x16xf32> to vector<16xf32>
      %swap3A_47 = vector.shape_cast %broadcast_in_dim3A_1 : vector<16xf32> to vector<1x16xf32>
      tpu.vector_store %arg8[%swap3A_43, %swap3A_44], %swap3A_47 {strides = array<i32>} : memref<128x128xf32, #tpu.memory_space<vmem>>, vector<1x16xf32>,
      %swap3A_48 = arith.index_cast %scan3A_38 : i32 to index
      %swap3A_49 = arith.constant 32 : index
      %swap3A_50 = tpu.vector_load %arg8[%swap3A_48, %swap3A_49] {strides = array<i32>} : memref<128x128xf32, #tpu.memory_space<vmem>>, vector<1x16xf32>,
      %swap3A_51 = vector.shape_cast %swap3A_50 : vector<1x16xf32> to vector<16xf32>
      %swap3A_52 = vector.shape_cast %broadcast_in_dim3A_1 : vector<16xf32> to vector<1x16xf32>
      tpu.vector_store %arg8[%swap3A_48, %swap3A_49], %swap3A_52 {strides = array<i32>} : memref<128x128xf32, #tpu.memory_space<vmem>>, vector<1x16xf32>,
      %swap3A_53 = arith.index_cast %scan3A_38 : i32 to index
      %swap3A_54 = arith.constant 48 : index
      %swap3A_55 = tpu.vector_load %arg8[%swap3A_53, %swap3A_54] {strides = array<i32>} : memref<128x128xf32, #tpu.memory_space<vmem>>, vector<1x16xf32>,
      %swap3A_56 = vector.shape_cast %swap3A_55 : vector<1x16xf32> to vector<16xf32>
      %swap3A_57 = vector.shape_cast %broadcast_in_dim3A_1 : vector<16xf32> to vector<1x16xf32>
      tpu.vector_store %arg8[%swap3A_53, %swap3A_54], %swap3A_57 {strides = array<i32>} : memref<128x128xf32, #tpu.memory_space<vmem>>, vector<1x16xf32>,
      %swap3A_58 = arith.index_cast %scan3A_38 : i32 to index
      %swap3A_59 = arith.constant 64 : index
      %swap3A_60 = tpu.vector_load %arg8[%swap3A_58, %swap3A_59] {strides = array<i32>} : memref<128x128xf32, #tpu.memory_space<vmem>>, vector<1x16xf32>,
      %swap3A_61 = vector.shape_cast %swap3A_60 : vector<1x16xf32> to vector<16xf32>
      %swap3A_62 = vector.shape_cast %broadcast_in_dim3A_1 : vector<16xf32> to vector<1x16xf32>
      tpu.vector_store %arg8[%swap3A_58, %swap3A_59], %swap3A_62 {strides = array<i32>} : memref<128x128xf32, #tpu.memory_space<vmem>>, vector<1x16xf32>,
      %swap3A_63 = arith.index_cast %scan3A_38 : i32 to index
      %swap3A_64 = arith.constant 80 : index
      %swap3A_65 = tpu.vector_load %arg8[%swap3A_63, %swap3A_64] {strides = array<i32>} : memref<128x128xf32, #tpu.memory_space<vmem>>, vector<1x16xf32>,
      %swap3A_66 = vector.shape_cast %swap3A_65 : vector<1x16xf32> to vector<16xf32>
      %swap3A_67 = vector.shape_cast %broadcast_in_dim3A_1 : vector<16xf32> to vector<1x16xf32>
      tpu.vector_store %arg8[%swap3A_63, %swap3A_64], %swap3A_67 {strides = array<i32>} : memref<128x128xf32, #tpu.memory_space<vmem>>, vector<1x16xf32>,
      %swap3A_68 = arith.index_cast %scan3A_38 : i32 to index
      %swap3A_69 = arith.constant 96 : index
      %swap3A_70 = tpu.vector_load %arg8[%swap3A_68, %swap3A_69] {strides = array<i32>} : memref<128x128xf32, #tpu.memory_space<vmem>>, vector<1x16xf32>,
      %swap3A_71 = vector.shape_cast %swap3A_70 : vector<1x16xf32> to vector<16xf32>
      %swap3A_72 = vector.shape_cast %broadcast_in_dim3A_1 : vector<16xf32> to vector<1x16xf32>
      tpu.vector_store %arg8[%swap3A_68, %swap3A_69], %swap3A_72 {strides = array<i32>} : memref<128x128xf32, #tpu.memory_space<vmem>>, vector<1x16xf32>,
      %swap3A_73 = arith.index_cast %scan3A_38 : i32 to index
      %swap3A_74 = arith.constant 112 : index
      %swap3A_75 = tpu.vector_load %arg8[%swap3A_73, %swap3A_74] {strides = array<i32>} : memref<128x128xf32, #tpu.memory_space<vmem>>, vector<1x16xf32>,
      %swap3A_76 = vector.shape_cast %swap3A_75 : vector<1x16xf32> to vector<16xf32>
      %swap3A_77 = vector.shape_cast %broadcast_in_dim3A_1 : vector<16xf32> to vector<1x16xf32>
      tpu.vector_store %arg8[%swap3A_73, %swap3A_74], %swap3A_77 {strides = array<i32>} : memref<128x128xf32, #tpu.memory_space<vmem>>, vector<1x16xf32>,
    }
    %scan3A_6 = arith.constant 128 : i32
    %mul3A_7 = arith.constant 640 : i32
    %mul3A_8 = arith.muli %arg1, %mul3A_7 : i32
    %add3A_9 = arith.constant 0 : i32
    %add3A_10 = arith.addi %mul3A_8, %add3A_9 : i32
    "tpu.region"() ({
      %run_scoped3A = tpu.sem_alloc : memref<!tpu.dma_semaphore, #tpu.memory_space<semaphore_mem>>
      %dma_start3A = arith.constant 0 : i32
      %dma_start3A_38 = tpu.memref_slice %arg9[%add3A_10, %dma_start3A] : memref<10240x128xf32, #tpu.memory_space<vmem_shared>> -> memref<128x128xf32, #tpu.memory_space<vmem_shared>>
      %dma_start3A_39 = arith.constant 0 : i32
      %dma_start3A_40 = tpu.memref_slice %arg9[%add3A_10, %dma_start3A_39] : memref<10240x128xf32, #tpu.memory_space<vmem_shared>> -> memref<128x128xf32, #tpu.memory_space<vmem_shared>>
      tpu.enqueue_dma source(%arg8 : memref<128x128xf32, #tpu.memory_space<vmem>>) target(%dma_start3A_40 : memref<128x128xf32, #tpu.memory_space<vmem_shared>>) target_semaphore(%run_scoped3A : memref<!tpu.dma_semaphore, #tpu.memory_space<semaphore_mem>>)
      %dma_wait3A = arith.constant 0 : i32
      %dma_wait3A_41 = tpu.memref_slice %arg9[%add3A_10, %dma_wait3A] : memref<10240x128xf32, #tpu.memory_space<vmem_shared>> -> memref<128x128xf32, #tpu.memory_space<vmem_shared>>
      %dma_wait3A_42 = arith.constant 0 : i32
      %dma_wait3A_43 = tpu.memref_slice %arg9[%add3A_10, %dma_wait3A_42] : memref<10240x128xf32, #tpu.memory_space<vmem_shared>> -> memref<128x128xf32, #tpu.memory_space<vmem_shared>>
      tpu.wait_dma2 semaphore(%run_scoped3A : memref<!tpu.dma_semaphore, #tpu.memory_space<semaphore_mem>>) src(%arg8 : memref<128x128xf32, #tpu.memory_space<vmem>>) dst(%dma_wait3A_43 : memref<128x128xf32, #tpu.memory_space<vmem_shared>>)
      tpu.yield
    }) : () -> ()
    %mul3A_11 = arith.constant 640 : i32
    %mul3A_12 = arith.muli %arg1, %mul3A_11 : i32
    %add3A_13 = arith.constant 128 : i32
    %add3A_14 = arith.addi %mul3A_12, %add3A_13 : i32
    "tpu.region"() ({
      %run_scoped3A = tpu.sem_alloc : memref<!tpu.dma_semaphore, #tpu.memory_space<semaphore_mem>>
      %dma_start3A = arith.constant 0 : i32
      %dma_start3A_38 = tpu.memref_slice %arg9[%add3A_14, %dma_start3A] : memref<10240x128xf32, #tpu.memory_space<vmem_shared>> -> memref<128x128xf32, #tpu.memory_space<vmem_shared>>
      %dma_start3A_39 = arith.constant 0 : i32
      %dma_start3A_40 = tpu.memref_slice %arg9[%add3A_14, %dma_start3A_39] : memref<10240x128xf32, #tpu.memory_space<vmem_shared>> -> memref<128x128xf32, #tpu.memory_space<vmem_shared>>
      tpu.enqueue_dma source(%arg8 : memref<128x128xf32, #tpu.memory_space<vmem>>) target(%dma_start3A_40 : memref<128x128xf32, #tpu.memory_space<vmem_shared>>) target_semaphore(%run_scoped3A : memref<!tpu.dma_semaphore, #tpu.memory_space<semaphore_mem>>)
      %dma_wait3A = arith.constant 0 : i32
      %dma_wait3A_41 = tpu.memref_slice %arg9[%add3A_14, %dma_wait3A] : memref<10240x128xf32, #tpu.memory_space<vmem_shared>> -> memref<128x128xf32, #tpu.memory_space<vmem_shared>>
      %dma_wait3A_42 = arith.constant 0 : i32
      %dma_wait3A_43 = tpu.memref_slice %arg9[%add3A_14, %dma_wait3A_42] : memref<10240x128xf32, #tpu.memory_space<vmem_shared>> -> memref<128x128xf32, #tpu.memory_space<vmem_shared>>
      tpu.wait_dma2 semaphore(%run_scoped3A : memref<!tpu.dma_semaphore, #tpu.memory_space<semaphore_mem>>) src(%arg8 : memref<128x128xf32, #tpu.memory_space<vmem>>) dst(%dma_wait3A_43 : memref<128x128xf32, #tpu.memory_space<vmem_shared>>)
      tpu.yield
    }) : () -> ()
    %mul3A_15 = arith.constant 640 : i32
    %mul3A_16 = arith.muli %arg1, %mul3A_15 : i32
    %add3A_17 = arith.constant 256 : i32
    %add3A_18 = arith.addi %mul3A_16, %add3A_17 : i32
    "tpu.region"() ({
      %run_scoped3A = tpu.sem_alloc : memref<!tpu.dma_semaphore, #tpu.memory_space<semaphore_mem>>
      %dma_start3A = arith.constant 0 : i32
      %dma_start3A_38 = tpu.memref_slice %arg9[%add3A_18, %dma_start3A] : memref<10240x128xf32, #tpu.memory_space<vmem_shared>> -> memref<128x128xf32, #tpu.memory_space<vmem_shared>>
      %dma_start3A_39 = arith.constant 0 : i32
      %dma_start3A_40 = tpu.memref_slice %arg9[%add3A_18, %dma_start3A_39] : memref<10240x128xf32, #tpu.memory_space<vmem_shared>> -> memref<128x128xf32, #tpu.memory_space<vmem_shared>>
      tpu.enqueue_dma source(%arg8 : memref<128x128xf32, #tpu.memory_space<vmem>>) target(%dma_start3A_40 : memref<128x128xf32, #tpu.memory_space<vmem_shared>>) target_semaphore(%run_scoped3A : memref<!tpu.dma_semaphore, #tpu.memory_space<semaphore_mem>>)
      %dma_wait3A = arith.constant 0 : i32
      %dma_wait3A_41 = tpu.memref_slice %arg9[%add3A_18, %dma_wait3A] : memref<10240x128xf32, #tpu.memory_space<vmem_shared>> -> memref<128x128xf32, #tpu.memory_space<vmem_shared>>
      %dma_wait3A_42 = arith.constant 0 : i32
      %dma_wait3A_43 = tpu.memref_slice %arg9[%add3A_18, %dma_wait3A_42] : memref<10240x128xf32, #tpu.memory_space<vmem_shared>> -> memref<128x128xf32, #tpu.memory_space<vmem_shared>>
      tpu.wait_dma2 semaphore(%run_scoped3A : memref<!tpu.dma_semaphore, #tpu.memory_space<semaphore_mem>>) src(%arg8 : memref<128x128xf32, #tpu.memory_space<vmem>>) dst(%dma_wait3A_43 : memref<128x128xf32, #tpu.memory_space<vmem_shared>>)
      tpu.yield
    }) : () -> ()
    %mul3A_19 = arith.constant 640 : i32
    %mul3A_20 = arith.muli %arg1, %mul3A_19 : i32
    %add3A_21 = arith.constant 384 : i32
    %add3A_22 = arith.addi %mul3A_20, %add3A_21 : i32
    "tpu.region"() ({
      %run_scoped3A = tpu.sem_alloc : memref<!tpu.dma_semaphore, #tpu.memory_space<semaphore_mem>>
      %dma_start3A = arith.constant 0 : i32
      %dma_start3A_38 = tpu.memref_slice %arg9[%add3A_22, %dma_start3A] : memref<10240x128xf32, #tpu.memory_space<vmem_shared>> -> memref<128x128xf32, #tpu.memory_space<vmem_shared>>
      %dma_start3A_39 = arith.constant 0 : i32
      %dma_start3A_40 = tpu.memref_slice %arg9[%add3A_22, %dma_start3A_39] : memref<10240x128xf32, #tpu.memory_space<vmem_shared>> -> memref<128x128xf32, #tpu.memory_space<vmem_shared>>
      tpu.enqueue_dma source(%arg8 : memref<128x128xf32, #tpu.memory_space<vmem>>) target(%dma_start3A_40 : memref<128x128xf32, #tpu.memory_space<vmem_shared>>) target_semaphore(%run_scoped3A : memref<!tpu.dma_semaphore, #tpu.memory_space<semaphore_mem>>)
      %dma_wait3A = arith.constant 0 : i32
      %dma_wait3A_41 = tpu.memref_slice %arg9[%add3A_22, %dma_wait3A] : memref<10240x128xf32, #tpu.memory_space<vmem_shared>> -> memref<128x128xf32, #tpu.memory_space<vmem_shared>>
      %dma_wait3A_42 = arith.constant 0 : i32
      %dma_wait3A_43 = tpu.memref_slice %arg9[%add3A_22, %dma_wait3A_42] : memref<10240x128xf32, #tpu.memory_space<vmem_shared>> -> memref<128x128xf32, #tpu.memory_space<vmem_shared>>
      tpu.wait_dma2 semaphore(%run_scoped3A : memref<!tpu.dma_semaphore, #tpu.memory_space<semaphore_mem>>) src(%arg8 : memref<128x128xf32, #tpu.memory_space<vmem>>) dst(%dma_wait3A_43 : memref<128x128xf32, #tpu.memory_space<vmem_shared>>)
      tpu.yield
    }) : () -> ()
    %mul3A_23 = arith.constant 640 : i32
    %mul3A_24 = arith.muli %arg1, %mul3A_23 : i32
    %add3A_25 = arith.constant 512 : i32
    %add3A_26 = arith.addi %mul3A_24, %add3A_25 : i32
    "tpu.region"() ({
      %run_scoped3A = tpu.sem_alloc : memref<!tpu.dma_semaphore, #tpu.memory_space<semaphore_mem>>
      %dma_start3A = arith.constant 0 : i32
      %dma_start3A_38 = tpu.memref_slice %arg9[%add3A_26, %dma_start3A] : memref<10240x128xf32, #tpu.memory_space<vmem_shared>> -> memref<128x128xf32, #tpu.memory_space<vmem_shared>>
      %dma_start3A_39 = arith.constant 0 : i32
      %dma_start3A_40 = tpu.memref_slice %arg9[%add3A_26, %dma_start3A_39] : memref<10240x128xf32, #tpu.memory_space<vmem_shared>> -> memref<128x128xf32, #tpu.memory_space<vmem_shared>>
      tpu.enqueue_dma source(%arg8 : memref<128x128xf32, #tpu.memory_space<vmem>>) target(%dma_start3A_40 : memref<128x128xf32, #tpu.memory_space<vmem_shared>>) target_semaphore(%run_scoped3A : memref<!tpu.dma_semaphore, #tpu.memory_space<semaphore_mem>>)
      %dma_wait3A = arith.constant 0 : i32
      %dma_wait3A_41 = tpu.memref_slice %arg9[%add3A_26, %dma_wait3A] : memref<10240x128xf32, #tpu.memory_space<vmem_shared>> -> memref<128x128xf32, #tpu.memory_space<vmem_shared>>
      %dma_wait3A_42 = arith.constant 0 : i32
      %dma_wait3A_43 = tpu.memref_slice %arg9[%add3A_26, %dma_wait3A_42] : memref<10240x128xf32, #tpu.memory_space<vmem_shared>> -> memref<128x128xf32, #tpu.memory_space<vmem_shared>>
      tpu.wait_dma2 semaphore(%run_scoped3A : memref<!tpu.dma_semaphore, #tpu.memory_space<semaphore_mem>>) src(%arg8 : memref<128x128xf32, #tpu.memory_space<vmem>>) dst(%dma_wait3A_43 : memref<128x128xf32, #tpu.memory_space<vmem_shared>>)
      tpu.yield
    }) : () -> ()
    %barrier3A = arith.constant 0 : index
    tpu.barrier barrier_id(%barrier3A)
    "tpu.region"() ({
      %run_scoped3A = tpu.sem_alloc : memref<!tpu.dma_semaphore, #tpu.memory_space<semaphore_mem>>
      %dma_start3A = arith.constant 0 : i32
      %dma_start3A_38 = arith.constant 0 : i32
      %dma_start3A_39 = tpu.memref_slice %arg3[%add3A, %dma_start3A, %dma_start3A_38] : memref<32x79x128xi32, #tpu.memory_space<hbm>> -> memref<1x79x128xi32, #tpu.memory_space<hbm>>
      %dma_start3A_40 = tpu.memref_squeeze %dma_start3A_39 : memref<1x79x128xi32, #tpu.memory_space<hbm>> -> memref<79x128xi32, #tpu.memory_space<hbm>>
      %dma_start3A_41 = arith.constant 0 : i32
      %dma_start3A_42 = arith.constant 0 : i32
      %dma_start3A_43 = tpu.memref_slice %arg3[%add3A, %dma_start3A_41, %dma_start3A_42] : memref<32x79x128xi32, #tpu.memory_space<hbm>> -> memref<1x79x128xi32, #tpu.memory_space<hbm>>
      %dma_start3A_44 = tpu.memref_squeeze %dma_start3A_43 : memref<1x79x128xi32, #tpu.memory_space<hbm>> -> memref<79x128xi32, #tpu.memory_space<hbm>>
      tpu.enqueue_dma source(%dma_start3A_44 : memref<79x128xi32, #tpu.memory_space<hbm>>) target(%arg6 : memref<79x128xi32, #tpu.memory_space<vmem>>) target_semaphore(%run_scoped3A : memref<!tpu.dma_semaphore, #tpu.memory_space<semaphore_mem>>)
      %dma_wait3A = arith.constant 0 : i32
      %dma_wait3A_45 = arith.constant 0 : i32
      %dma_wait3A_46 = tpu.memref_slice %arg3[%add3A, %dma_wait3A, %dma_wait3A_45] : memref<32x79x128xi32, #tpu.memory_space<hbm>> -> memref<1x79x128xi32, #tpu.memory_space<hbm>>
      %dma_wait3A_47 = tpu.memref_squeeze %dma_wait3A_46 : memref<1x79x128xi32, #tpu.memory_space<hbm>> -> memref<79x128xi32, #tpu.memory_space<hbm>>
      %dma_wait3A_48 = arith.constant 0 : i32
      %dma_wait3A_49 = arith.constant 0 : i32
      %dma_wait3A_50 = tpu.memref_slice %arg3[%add3A, %dma_wait3A_48, %dma_wait3A_49] : memref<32x79x128xi32, #tpu.memory_space<hbm>> -> memref<1x79x128xi32, #tpu.memory_space<hbm>>
      %dma_wait3A_51 = tpu.memref_squeeze %dma_wait3A_50 : memref<1x79x128xi32, #tpu.memory_space<hbm>> -> memref<79x128xi32, #tpu.memory_space<hbm>>
      tpu.wait_dma2 semaphore(%run_scoped3A : memref<!tpu.dma_semaphore, #tpu.memory_space<semaphore_mem>>) src(%dma_wait3A_51 : memref<79x128xi32, #tpu.memory_space<hbm>>) dst(%arg6 : memref<79x128xi32, #tpu.memory_space<vmem>>)
      tpu.yield
    }) : () -> ()
    "tpu.region"() ({
      %run_scoped3A = tpu.sem_alloc : memref<!tpu.dma_semaphore, #tpu.memory_space<semaphore_mem>>
      %dma_start3A = arith.constant 0 : i32
      %dma_start3A_38 = arith.constant 0 : i32
      %dma_start3A_39 = tpu.memref_slice %arg4[%add3A, %dma_start3A, %dma_start3A_38] : memref<32x79x128xi32, #tpu.memory_space<hbm>> -> memref<1x79x128xi32, #tpu.memory_space<hbm>>
      %dma_start3A_40 = tpu.memref_squeeze %dma_start3A_39 : memref<1x79x128xi32, #tpu.memory_space<hbm>> -> memref<79x128xi32, #tpu.memory_space<hbm>>
      %dma_start3A_41 = arith.constant 0 : i32
      %dma_start3A_42 = arith.constant 0 : i32
      %dma_start3A_43 = tpu.memref_slice %arg4[%add3A, %dma_start3A_41, %dma_start3A_42] : memref<32x79x128xi32, #tpu.memory_space<hbm>> -> memref<1x79x128xi32, #tpu.memory_space<hbm>>
      %dma_start3A_44 = tpu.memref_squeeze %dma_start3A_43 : memref<1x79x128xi32, #tpu.memory_space<hbm>> -> memref<79x128xi32, #tpu.memory_space<hbm>>
      tpu.enqueue_dma source(%dma_start3A_44 : memref<79x128xi32, #tpu.memory_space<hbm>>) target(%arg7 : memref<79x128xi32, #tpu.memory_space<vmem>>) target_semaphore(%run_scoped3A : memref<!tpu.dma_semaphore, #tpu.memory_space<semaphore_mem>>)
      %dma_wait3A = arith.constant 0 : i32
      %dma_wait3A_45 = arith.constant 0 : i32
      %dma_wait3A_46 = tpu.memref_slice %arg4[%add3A, %dma_wait3A, %dma_wait3A_45] : memref<32x79x128xi32, #tpu.memory_space<hbm>> -> memref<1x79x128xi32, #tpu.memory_space<hbm>>
      %dma_wait3A_47 = tpu.memref_squeeze %dma_wait3A_46 : memref<1x79x128xi32, #tpu.memory_space<hbm>> -> memref<79x128xi32, #tpu.memory_space<hbm>>
      %dma_wait3A_48 = arith.constant 0 : i32
      %dma_wait3A_49 = arith.constant 0 : i32
      %dma_wait3A_50 = tpu.memref_slice %arg4[%add3A, %dma_wait3A_48, %dma_wait3A_49] : memref<32x79x128xi32, #tpu.memory_space<hbm>> -> memref<1x79x128xi32, #tpu.memory_space<hbm>>
      %dma_wait3A_51 = tpu.memref_squeeze %dma_wait3A_50 : memref<1x79x128xi32, #tpu.memory_space<hbm>> -> memref<79x128xi32, #tpu.memory_space<hbm>>
      tpu.wait_dma2 semaphore(%run_scoped3A : memref<!tpu.dma_semaphore, #tpu.memory_space<semaphore_mem>>) src(%dma_wait3A_51 : memref<79x128xi32, #tpu.memory_space<hbm>>) dst(%arg7 : memref<79x128xi32, #tpu.memory_space<vmem>>)
      tpu.yield
    }) : () -> ()
    %scan3A_27 = arith.constant 0 : i32
    %scan3A_28 = arith.constant 0 : i32
    %scan3A_29 = arith.constant 79 : i32
    %scan3A_30 = arith.addi %scan3A_28, %scan3A_29 : i32
    %scan3A_31 = arith.constant 1 : i32
    scf.for %scan3A_38 = %scan3A_28 to %scan3A_30 step %scan3A_31  : i32 {
      %dma_start3A = arith.constant 0 : i32
      %dma_start3A_39 = tpu.memref_slice %arg6[%scan3A_38, %dma_start3A] : memref<79x128xi32, #tpu.memory_space<vmem>> -> memref<1x128xi32, #tpu.memory_space<vmem>>
      %dma_start3A_40 = tpu.memref_squeeze %dma_start3A_39 : memref<1x128xi32, #tpu.memory_space<vmem>> -> memref<128xi32, #tpu.memory_space<vmem>>
      %dma_start3A_41 = arith.constant 0 : i32
      %dma_start3A_42 = arith.constant 0 : i32
      %dma_start3A_43 = tpu.memref_slice %arg2[%dma_start3A_41, %dma_start3A_42] : memref<10240x128xf32, #tpu.memory_space<hbm>> -> memref<10240x128xf32, #tpu.memory_space<hbm>>
      tpu.enqueue_indirect_dma source(%dma_start3A_43 : memref<10240x128xf32, #tpu.memory_space<hbm>>) target(%arg8 : memref<128x128xf32, #tpu.memory_space<vmem>>) offsets(%dma_start3A_40 : memref<128xi32, #tpu.memory_space<vmem>>) semaphore(%arg10 : memref<!tpu.dma_semaphore, #tpu.memory_space<semaphore_mem>>)
      %dma_wait3A = arith.constant 0 : i32
      %dma_wait3A_44 = tpu.memref_slice %arg6[%scan3A_38, %dma_wait3A] : memref<79x128xi32, #tpu.memory_space<vmem>> -> memref<1x128xi32, #tpu.memory_space<vmem>>
      %dma_wait3A_45 = tpu.memref_squeeze %dma_wait3A_44 : memref<1x128xi32, #tpu.memory_space<vmem>> -> memref<128xi32, #tpu.memory_space<vmem>>
      %dma_wait3A_46 = arith.constant 0 : i32
      %dma_wait3A_47 = arith.constant 0 : i32
      %dma_wait3A_48 = tpu.memref_slice %arg2[%dma_wait3A_46, %dma_wait3A_47] : memref<10240x128xf32, #tpu.memory_space<hbm>> -> memref<10240x128xf32, #tpu.memory_space<hbm>>
      tpu.wait_indirect_dma semaphore(%arg10 : memref<!tpu.dma_semaphore, #tpu.memory_space<semaphore_mem>>) src(%dma_wait3A_48 : memref<10240x128xf32, #tpu.memory_space<hbm>>) dst(%arg8 : memref<128x128xf32, #tpu.memory_space<vmem>>)
      "tpu.region"() ({
        %run_scoped3A = tpu.sem_alloc : memref<!tpu.dma_semaphore, #tpu.memory_space<semaphore_mem>>
        %dma_start3A_49 = arith.constant 0 : i32
        %dma_start3A_50 = tpu.memref_slice %arg7[%scan3A_38, %dma_start3A_49] : memref<79x128xi32, #tpu.memory_space<vmem>> -> memref<1x128xi32, #tpu.memory_space<vmem>>
        %dma_start3A_51 = tpu.memref_squeeze %dma_start3A_50 : memref<1x128xi32, #tpu.memory_space<vmem>> -> memref<128xi32, #tpu.memory_space<vmem>>
        %dma_start3A_52 = arith.constant 0 : i32
        %dma_start3A_53 = arith.constant 0 : i32
        %dma_start3A_54 = tpu.memref_slice %arg9[%dma_start3A_52, %dma_start3A_53] : memref<10240x128xf32, #tpu.memory_space<vmem_shared>> -> memref<10240x128xf32, #tpu.memory_space<vmem_shared>>
        tpu.enqueue_indirect_dma source(%arg8 : memref<128x128xf32, #tpu.memory_space<vmem>>) target(%dma_start3A_54 : memref<10240x128xf32, #tpu.memory_space<vmem_shared>>) offsets(%dma_start3A_51 : memref<128xi32, #tpu.memory_space<vmem>>) semaphore(%run_scoped3A : memref<!tpu.dma_semaphore, #tpu.memory_space<semaphore_mem>>) {add = true}
        %dma_wait3A_55 = arith.constant 0 : i32
        %dma_wait3A_56 = tpu.memref_slice %arg7[%scan3A_38, %dma_wait3A_55] : memref<79x128xi32, #tpu.memory_space<vmem>> -> memref<1x128xi32, #tpu.memory_space<vmem>>
        %dma_wait3A_57 = tpu.memref_squeeze %dma_wait3A_56 : memref<1x128xi32, #tpu.memory_space<vmem>> -> memref<128xi32, #tpu.memory_space<vmem>>
        %dma_wait3A_58 = arith.constant 0 : i32
        %dma_wait3A_59 = arith.constant 0 : i32
        %dma_wait3A_60 = tpu.memref_slice %arg9[%dma_wait3A_58, %dma_wait3A_59] : memref<10240x128xf32, #tpu.memory_space<vmem_shared>> -> memref<10240x128xf32, #tpu.memory_space<vmem_shared>>
        tpu.wait_indirect_dma semaphore(%run_scoped3A : memref<!tpu.dma_semaphore, #tpu.memory_space<semaphore_mem>>) src(%arg8 : memref<128x128xf32, #tpu.memory_space<vmem>>) dst(%dma_wait3A_60 : memref<10240x128xf32, #tpu.memory_space<vmem_shared>>)
        tpu.yield
      }) : () -> ()
    }
    %scan3A_32 = arith.constant 79 : i32
    %barrier3A_33 = arith.constant 0 : index
    tpu.barrier barrier_id(%barrier3A_33)
    %mul3A_34 = arith.constant 640 : i32
    %mul3A_35 = arith.muli %arg1, %mul3A_34 : i32
    %mul3A_36 = arith.constant 640 : i32
    %mul3A_37 = arith.muli %arg1, %mul3A_36 : i32
    "tpu.region"() ({
      %run_scoped3A = tpu.sem_alloc : memref<!tpu.dma_semaphore, #tpu.memory_space<semaphore_mem>>
      %dma_start3A = arith.constant 0 : i32
      %dma_start3A_38 = tpu.memref_slice %arg5[%arg0, %mul3A_37, %dma_start3A] : memref<2x10240x128xf32, #tpu.memory_space<hbm>> -> memref<1x640x128xf32, #tpu.memory_space<hbm>>
      %dma_start3A_39 = tpu.memref_squeeze %dma_start3A_38 : memref<1x640x128xf32, #tpu.memory_space<hbm>> -> memref<640x128xf32, #tpu.memory_space<hbm>>
      %dma_start3A_40 = arith.constant 0 : i32
      %dma_start3A_41 = tpu.memref_slice %arg9[%mul3A_35, %dma_start3A_40] : memref<10240x128xf32, #tpu.memory_space<vmem_shared>> -> memref<640x128xf32, #tpu.memory_space<vmem_shared>>
      tpu.enqueue_dma source(%dma_start3A_41 : memref<640x128xf32, #tpu.memory_space<vmem_shared>>) target(%dma_start3A_39 : memref<640x128xf32, #tpu.memory_space<hbm>>) target_semaphore(%run_scoped3A : memref<!tpu.dma_semaphore, #tpu.memory_space<semaphore_mem>>)
      %dma_wait3A = arith.constant 0 : i32
      %dma_wait3A_42 = tpu.memref_slice %arg5[%arg0, %mul3A_37, %dma_wait3A] : memref<2x10240x128xf32, #tpu.memory_space<hbm>> -> memref<1x640x128xf32, #tpu.memory_space<hbm>>
      %dma_wait3A_43 = tpu.memref_squeeze %dma_wait3A_42 : memref<1x640x128xf32, #tpu.memory_space<hbm>> -> memref<640x128xf32, #tpu.memory_space<hbm>>
      %dma_wait3A_44 = arith.constant 0 : i32
      %dma_wait3A_45 = tpu.memref_slice %arg9[%mul3A_35, %dma_wait3A_44] : memref<10240x128xf32, #tpu.memory_space<vmem_shared>> -> memref<640x128xf32, #tpu.memory_space<vmem_shared>>
      tpu.wait_dma2 semaphore(%run_scoped3A : memref<!tpu.dma_semaphore, #tpu.memory_space<semaphore_mem>>) src(%dma_wait3A_45 : memref<640x128xf32, #tpu.memory_space<vmem_shared>>) dst(%dma_wait3A_43 : memref<640x128xf32, #tpu.memory_space<hbm>>)
      tpu.yield
    }) : () -> ()
    return
  }
}

#map = affine_map<(d0, d1) -> (0, 0)>
#map1 = affine_map<(d0, d1) -> (0, 0, 0)>
module attributes {stable_mosaic.version = 14 : i64} {
  func.func @seg(%arg0: i32, %arg1: i32, %arg2: memref<10240x128xf32, #tpu.memory_space<hbm>>, %arg3: memref<32x79x128xi32, #tpu.memory_space<hbm>>, %arg4: memref<32x79x128xi32, #tpu.memory_space<hbm>>, %arg5: memref<2x10240x128xf32, #tpu.memory_space<hbm>>, %arg6: memref<79x128xi32, #tpu.memory_space<vmem>>, %arg7: memref<79x128xi32, #tpu.memory_space<vmem>>, %arg8: memref<128x128xf32, #tpu.memory_space<vmem>>, %arg9: memref<10240x128xf32, #tpu.memory_space<vmem_shared>>, %arg10: memref<!tpu.dma_semaphore, #tpu.memory_space<semaphore_mem>>) attributes {dimension_semantics = [#tpu.dimension_semantics<core_parallel>, #tpu.dimension_semantics<subcore_parallel>], iteration_bounds = array<i64: 2, 16>, scalar_prefetch = 0 : i64, scratch_operands = 5 : i64, tpu.core_type = #tpu.core_type<sc_vector_subcore>, window_params = [{transform_indices = #map}, {transform_indices = #map1}, {transform_indices = #map1}, {transform_indices = #map1}]} {
    %mul3A = arith.constant 2 : i32
    %mul3A_0 = arith.muli %arg1, %mul3A : i32
    %add3A = arith.addi %mul3A_0, %arg0 : i32
    %broadcast_in_dim3A = arith.constant 0.000000e+00 : f32
    %broadcast_in_dim3A_1 = vector.broadcast %broadcast_in_dim3A : f32 to vector<16xf32>
    %scan3A = arith.constant 0 : i32
    %scan3A_2 = arith.constant 0 : i32
    %scan3A_3 = arith.constant 128 : i32
    %scan3A_4 = arith.addi %scan3A_2, %scan3A_3 : i32
    %scan3A_5 = arith.constant 1 : i32
    scf.for %scan3A_38 = %scan3A_2 to %scan3A_4 step %scan3A_5  : i32 {
      %swap3A = arith.index_cast %scan3A_38 : i32 to index
      %swap3A_39 = arith.constant 0 : index
      %swap3A_40 = tpu.vector_load %arg8[%swap3A, %swap3A_39] {strides = array<i32>} : memref<128x128xf32, #tpu.memory_space<vmem>>, vector<1x16xf32>,
      %swap3A_41 = vector.shape_cast %swap3A_40 : vector<1x16xf32> to vector<16xf32>
      %swap3A_42 = vector.shape_cast %broadcast_in_dim3A_1 : vector<16xf32> to vector<1x16xf32>
      tpu.vector_store %arg8[%swap3A, %swap3A_39], %swap3A_42 {strides = array<i32>} : memref<128x128xf32, #tpu.memory_space<vmem>>, vector<1x16xf32>,
      %swap3A_43 = arith.index_cast %scan3A_38 : i32 to index
      %swap3A_44 = arith.constant 16 : index
      %swap3A_45 = tpu.vector_load %arg8[%swap3A_43, %swap3A_44] {strides = array<i32>} : memref<128x128xf32, #tpu.memory_space<vmem>>, vector<1x16xf32>,
      %swap3A_46 = vector.shape_cast %swap3A_45 : vector<1x16xf32> to vector<16xf32>
      %swap3A_47 = vector.shape_cast %broadcast_in_dim3A_1 : vector<16xf32> to vector<1x16xf32>
      tpu.vector_store %arg8[%swap3A_43, %swap3A_44], %swap3A_47 {strides = array<i32>} : memref<128x128xf32, #tpu.memory_space<vmem>>, vector<1x16xf32>,
      %swap3A_48 = arith.index_cast %scan3A_38 : i32 to index
      %swap3A_49 = arith.constant 32 : index
      %swap3A_50 = tpu.vector_load %arg8[%swap3A_48, %swap3A_49] {strides = array<i32>} : memref<128x128xf32, #tpu.memory_space<vmem>>, vector<1x16xf32>,
      %swap3A_51 = vector.shape_cast %swap3A_50 : vector<1x16xf32> to vector<16xf32>
      %swap3A_52 = vector.shape_cast %broadcast_in_dim3A_1 : vector<16xf32> to vector<1x16xf32>
      tpu.vector_store %arg8[%swap3A_48, %swap3A_49], %swap3A_52 {strides = array<i32>} : memref<128x128xf32, #tpu.memory_space<vmem>>, vector<1x16xf32>,
      %swap3A_53 = arith.index_cast %scan3A_38 : i32 to index
      %swap3A_54 = arith.constant 48 : index
      %swap3A_55 = tpu.vector_load %arg8[%swap3A_53, %swap3A_54] {strides = array<i32>} : memref<128x128xf32, #tpu.memory_space<vmem>>, vector<1x16xf32>,
      %swap3A_56 = vector.shape_cast %swap3A_55 : vector<1x16xf32> to vector<16xf32>
      %swap3A_57 = vector.shape_cast %broadcast_in_dim3A_1 : vector<16xf32> to vector<1x16xf32>
      tpu.vector_store %arg8[%swap3A_53, %swap3A_54], %swap3A_57 {strides = array<i32>} : memref<128x128xf32, #tpu.memory_space<vmem>>, vector<1x16xf32>,
      %swap3A_58 = arith.index_cast %scan3A_38 : i32 to index
      %swap3A_59 = arith.constant 64 : index
      %swap3A_60 = tpu.vector_load %arg8[%swap3A_58, %swap3A_59] {strides = array<i32>} : memref<128x128xf32, #tpu.memory_space<vmem>>, vector<1x16xf32>,
      %swap3A_61 = vector.shape_cast %swap3A_60 : vector<1x16xf32> to vector<16xf32>
      %swap3A_62 = vector.shape_cast %broadcast_in_dim3A_1 : vector<16xf32> to vector<1x16xf32>
      tpu.vector_store %arg8[%swap3A_58, %swap3A_59], %swap3A_62 {strides = array<i32>} : memref<128x128xf32, #tpu.memory_space<vmem>>, vector<1x16xf32>,
      %swap3A_63 = arith.index_cast %scan3A_38 : i32 to index
      %swap3A_64 = arith.constant 80 : index
      %swap3A_65 = tpu.vector_load %arg8[%swap3A_63, %swap3A_64] {strides = array<i32>} : memref<128x128xf32, #tpu.memory_space<vmem>>, vector<1x16xf32>,
      %swap3A_66 = vector.shape_cast %swap3A_65 : vector<1x16xf32> to vector<16xf32>
      %swap3A_67 = vector.shape_cast %broadcast_in_dim3A_1 : vector<16xf32> to vector<1x16xf32>
      tpu.vector_store %arg8[%swap3A_63, %swap3A_64], %swap3A_67 {strides = array<i32>} : memref<128x128xf32, #tpu.memory_space<vmem>>, vector<1x16xf32>,
      %swap3A_68 = arith.index_cast %scan3A_38 : i32 to index
      %swap3A_69 = arith.constant 96 : index
      %swap3A_70 = tpu.vector_load %arg8[%swap3A_68, %swap3A_69] {strides = array<i32>} : memref<128x128xf32, #tpu.memory_space<vmem>>, vector<1x16xf32>,
      %swap3A_71 = vector.shape_cast %swap3A_70 : vector<1x16xf32> to vector<16xf32>
      %swap3A_72 = vector.shape_cast %broadcast_in_dim3A_1 : vector<16xf32> to vector<1x16xf32>
      tpu.vector_store %arg8[%swap3A_68, %swap3A_69], %swap3A_72 {strides = array<i32>} : memref<128x128xf32, #tpu.memory_space<vmem>>, vector<1x16xf32>,
      %swap3A_73 = arith.index_cast %scan3A_38 : i32 to index
      %swap3A_74 = arith.constant 112 : index
      %swap3A_75 = tpu.vector_load %arg8[%swap3A_73, %swap3A_74] {strides = array<i32>} : memref<128x128xf32, #tpu.memory_space<vmem>>, vector<1x16xf32>,
      %swap3A_76 = vector.shape_cast %swap3A_75 : vector<1x16xf32> to vector<16xf32>
      %swap3A_77 = vector.shape_cast %broadcast_in_dim3A_1 : vector<16xf32> to vector<1x16xf32>
      tpu.vector_store %arg8[%swap3A_73, %swap3A_74], %swap3A_77 {strides = array<i32>} : memref<128x128xf32, #tpu.memory_space<vmem>>, vector<1x16xf32>,
    }
    %scan3A_6 = arith.constant 128 : i32
    %mul3A_7 = arith.constant 640 : i32
    %mul3A_8 = arith.muli %arg1, %mul3A_7 : i32
    %add3A_9 = arith.constant 0 : i32
    %add3A_10 = arith.addi %mul3A_8, %add3A_9 : i32
    "tpu.region"() ({
      %run_scoped3A = tpu.sem_alloc : memref<!tpu.dma_semaphore, #tpu.memory_space<semaphore_mem>>
      %dma_start3A = arith.constant 0 : i32
      %dma_start3A_38 = tpu.memref_slice %arg9[%add3A_10, %dma_start3A] : memref<10240x128xf32, #tpu.memory_space<vmem_shared>> -> memref<128x128xf32, #tpu.memory_space<vmem_shared>>
      %dma_start3A_39 = arith.constant 0 : i32
      %dma_start3A_40 = tpu.memref_slice %arg9[%add3A_10, %dma_start3A_39] : memref<10240x128xf32, #tpu.memory_space<vmem_shared>> -> memref<128x128xf32, #tpu.memory_space<vmem_shared>>
      tpu.enqueue_dma source(%arg8 : memref<128x128xf32, #tpu.memory_space<vmem>>) target(%dma_start3A_40 : memref<128x128xf32, #tpu.memory_space<vmem_shared>>) target_semaphore(%run_scoped3A : memref<!tpu.dma_semaphore, #tpu.memory_space<semaphore_mem>>)
      %dma_wait3A = arith.constant 0 : i32
      %dma_wait3A_41 = tpu.memref_slice %arg9[%add3A_10, %dma_wait3A] : memref<10240x128xf32, #tpu.memory_space<vmem_shared>> -> memref<128x128xf32, #tpu.memory_space<vmem_shared>>
      %dma_wait3A_42 = arith.constant 0 : i32
      %dma_wait3A_43 = tpu.memref_slice %arg9[%add3A_10, %dma_wait3A_42] : memref<10240x128xf32, #tpu.memory_space<vmem_shared>> -> memref<128x128xf32, #tpu.memory_space<vmem_shared>>
      tpu.wait_dma2 semaphore(%run_scoped3A : memref<!tpu.dma_semaphore, #tpu.memory_space<semaphore_mem>>) src(%arg8 : memref<128x128xf32, #tpu.memory_space<vmem>>) dst(%dma_wait3A_43 : memref<128x128xf32, #tpu.memory_space<vmem_shared>>)
      tpu.yield
    }) : () -> ()
    %mul3A_11 = arith.constant 640 : i32
    %mul3A_12 = arith.muli %arg1, %mul3A_11 : i32
    %add3A_13 = arith.constant 128 : i32
    %add3A_14 = arith.addi %mul3A_12, %add3A_13 : i32
    "tpu.region"() ({
      %run_scoped3A = tpu.sem_alloc : memref<!tpu.dma_semaphore, #tpu.memory_space<semaphore_mem>>
      %dma_start3A = arith.constant 0 : i32
      %dma_start3A_38 = tpu.memref_slice %arg9[%add3A_14, %dma_start3A] : memref<10240x128xf32, #tpu.memory_space<vmem_shared>> -> memref<128x128xf32, #tpu.memory_space<vmem_shared>>
      %dma_start3A_39 = arith.constant 0 : i32
      %dma_start3A_40 = tpu.memref_slice %arg9[%add3A_14, %dma_start3A_39] : memref<10240x128xf32, #tpu.memory_space<vmem_shared>> -> memref<128x128xf32, #tpu.memory_space<vmem_shared>>
      tpu.enqueue_dma source(%arg8 : memref<128x128xf32, #tpu.memory_space<vmem>>) target(%dma_start3A_40 : memref<128x128xf32, #tpu.memory_space<vmem_shared>>) target_semaphore(%run_scoped3A : memref<!tpu.dma_semaphore, #tpu.memory_space<semaphore_mem>>)
      %dma_wait3A = arith.constant 0 : i32
      %dma_wait3A_41 = tpu.memref_slice %arg9[%add3A_14, %dma_wait3A] : memref<10240x128xf32, #tpu.memory_space<vmem_shared>> -> memref<128x128xf32, #tpu.memory_space<vmem_shared>>
      %dma_wait3A_42 = arith.constant 0 : i32
      %dma_wait3A_43 = tpu.memref_slice %arg9[%add3A_14, %dma_wait3A_42] : memref<10240x128xf32, #tpu.memory_space<vmem_shared>> -> memref<128x128xf32, #tpu.memory_space<vmem_shared>>
      tpu.wait_dma2 semaphore(%run_scoped3A : memref<!tpu.dma_semaphore, #tpu.memory_space<semaphore_mem>>) src(%arg8 : memref<128x128xf32, #tpu.memory_space<vmem>>) dst(%dma_wait3A_43 : memref<128x128xf32, #tpu.memory_space<vmem_shared>>)
      tpu.yield
    }) : () -> ()
    %mul3A_15 = arith.constant 640 : i32
    %mul3A_16 = arith.muli %arg1, %mul3A_15 : i32
    %add3A_17 = arith.constant 256 : i32
    %add3A_18 = arith.addi %mul3A_16, %add3A_17 : i32
    "tpu.region"() ({
      %run_scoped3A = tpu.sem_alloc : memref<!tpu.dma_semaphore, #tpu.memory_space<semaphore_mem>>
      %dma_start3A = arith.constant 0 : i32
      %dma_start3A_38 = tpu.memref_slice %arg9[%add3A_18, %dma_start3A] : memref<10240x128xf32, #tpu.memory_space<vmem_shared>> -> memref<128x128xf32, #tpu.memory_space<vmem_shared>>
      %dma_start3A_39 = arith.constant 0 : i32
      %dma_start3A_40 = tpu.memref_slice %arg9[%add3A_18, %dma_start3A_39] : memref<10240x128xf32, #tpu.memory_space<vmem_shared>> -> memref<128x128xf32, #tpu.memory_space<vmem_shared>>
      tpu.enqueue_dma source(%arg8 : memref<128x128xf32, #tpu.memory_space<vmem>>) target(%dma_start3A_40 : memref<128x128xf32, #tpu.memory_space<vmem_shared>>) target_semaphore(%run_scoped3A : memref<!tpu.dma_semaphore, #tpu.memory_space<semaphore_mem>>)
      %dma_wait3A = arith.constant 0 : i32
      %dma_wait3A_41 = tpu.memref_slice %arg9[%add3A_18, %dma_wait3A] : memref<10240x128xf32, #tpu.memory_space<vmem_shared>> -> memref<128x128xf32, #tpu.memory_space<vmem_shared>>
      %dma_wait3A_42 = arith.constant 0 : i32
      %dma_wait3A_43 = tpu.memref_slice %arg9[%add3A_18, %dma_wait3A_42] : memref<10240x128xf32, #tpu.memory_space<vmem_shared>> -> memref<128x128xf32, #tpu.memory_space<vmem_shared>>
      tpu.wait_dma2 semaphore(%run_scoped3A : memref<!tpu.dma_semaphore, #tpu.memory_space<semaphore_mem>>) src(%arg8 : memref<128x128xf32, #tpu.memory_space<vmem>>) dst(%dma_wait3A_43 : memref<128x128xf32, #tpu.memory_space<vmem_shared>>)
      tpu.yield
    }) : () -> ()
    %mul3A_19 = arith.constant 640 : i32
    %mul3A_20 = arith.muli %arg1, %mul3A_19 : i32
    %add3A_21 = arith.constant 384 : i32
    %add3A_22 = arith.addi %mul3A_20, %add3A_21 : i32
    "tpu.region"() ({
      %run_scoped3A = tpu.sem_alloc : memref<!tpu.dma_semaphore, #tpu.memory_space<semaphore_mem>>
      %dma_start3A = arith.constant 0 : i32
      %dma_start3A_38 = tpu.memref_slice %arg9[%add3A_22, %dma_start3A] : memref<10240x128xf32, #tpu.memory_space<vmem_shared>> -> memref<128x128xf32, #tpu.memory_space<vmem_shared>>
      %dma_start3A_39 = arith.constant 0 : i32
      %dma_start3A_40 = tpu.memref_slice %arg9[%add3A_22, %dma_start3A_39] : memref<10240x128xf32, #tpu.memory_space<vmem_shared>> -> memref<128x128xf32, #tpu.memory_space<vmem_shared>>
      tpu.enqueue_dma source(%arg8 : memref<128x128xf32, #tpu.memory_space<vmem>>) target(%dma_start3A_40 : memref<128x128xf32, #tpu.memory_space<vmem_shared>>) target_semaphore(%run_scoped3A : memref<!tpu.dma_semaphore, #tpu.memory_space<semaphore_mem>>)
      %dma_wait3A = arith.constant 0 : i32
      %dma_wait3A_41 = tpu.memref_slice %arg9[%add3A_22, %dma_wait3A] : memref<10240x128xf32, #tpu.memory_space<vmem_shared>> -> memref<128x128xf32, #tpu.memory_space<vmem_shared>>
      %dma_wait3A_42 = arith.constant 0 : i32
      %dma_wait3A_43 = tpu.memref_slice %arg9[%add3A_22, %dma_wait3A_42] : memref<10240x128xf32, #tpu.memory_space<vmem_shared>> -> memref<128x128xf32, #tpu.memory_space<vmem_shared>>
      tpu.wait_dma2 semaphore(%run_scoped3A : memref<!tpu.dma_semaphore, #tpu.memory_space<semaphore_mem>>) src(%arg8 : memref<128x128xf32, #tpu.memory_space<vmem>>) dst(%dma_wait3A_43 : memref<128x128xf32, #tpu.memory_space<vmem_shared>>)
      tpu.yield
    }) : () -> ()
    %mul3A_23 = arith.constant 640 : i32
    %mul3A_24 = arith.muli %arg1, %mul3A_23 : i32
    %add3A_25 = arith.constant 512 : i32
    %add3A_26 = arith.addi %mul3A_24, %add3A_25 : i32
    "tpu.region"() ({
      %run_scoped3A = tpu.sem_alloc : memref<!tpu.dma_semaphore, #tpu.memory_space<semaphore_mem>>
      %dma_start3A = arith.constant 0 : i32
      %dma_start3A_38 = tpu.memref_slice %arg9[%add3A_26, %dma_start3A] : memref<10240x128xf32, #tpu.memory_space<vmem_shared>> -> memref<128x128xf32, #tpu.memory_space<vmem_shared>>
      %dma_start3A_39 = arith.constant 0 : i32
      %dma_start3A_40 = tpu.memref_slice %arg9[%add3A_26, %dma_start3A_39] : memref<10240x128xf32, #tpu.memory_space<vmem_shared>> -> memref<128x128xf32, #tpu.memory_space<vmem_shared>>
      tpu.enqueue_dma source(%arg8 : memref<128x128xf32, #tpu.memory_space<vmem>>) target(%dma_start3A_40 : memref<128x128xf32, #tpu.memory_space<vmem_shared>>) target_semaphore(%run_scoped3A : memref<!tpu.dma_semaphore, #tpu.memory_space<semaphore_mem>>)
      %dma_wait3A = arith.constant 0 : i32
      %dma_wait3A_41 = tpu.memref_slice %arg9[%add3A_26, %dma_wait3A] : memref<10240x128xf32, #tpu.memory_space<vmem_shared>> -> memref<128x128xf32, #tpu.memory_space<vmem_shared>>
      %dma_wait3A_42 = arith.constant 0 : i32
      %dma_wait3A_43 = tpu.memref_slice %arg9[%add3A_26, %dma_wait3A_42] : memref<10240x128xf32, #tpu.memory_space<vmem_shared>> -> memref<128x128xf32, #tpu.memory_space<vmem_shared>>
      tpu.wait_dma2 semaphore(%run_scoped3A : memref<!tpu.dma_semaphore, #tpu.memory_space<semaphore_mem>>) src(%arg8 : memref<128x128xf32, #tpu.memory_space<vmem>>) dst(%dma_wait3A_43 : memref<128x128xf32, #tpu.memory_space<vmem_shared>>)
      tpu.yield
    }) : () -> ()
    %barrier3A = arith.constant 0 : index
    tpu.barrier barrier_id(%barrier3A)
    "tpu.region"() ({
      %run_scoped3A = tpu.sem_alloc : memref<!tpu.dma_semaphore, #tpu.memory_space<semaphore_mem>>
      %dma_start3A = arith.constant 0 : i32
      %dma_start3A_38 = arith.constant 0 : i32
      %dma_start3A_39 = tpu.memref_slice %arg3[%add3A, %dma_start3A, %dma_start3A_38] : memref<32x79x128xi32, #tpu.memory_space<hbm>> -> memref<1x79x128xi32, #tpu.memory_space<hbm>>
      %dma_start3A_40 = tpu.memref_squeeze %dma_start3A_39 : memref<1x79x128xi32, #tpu.memory_space<hbm>> -> memref<79x128xi32, #tpu.memory_space<hbm>>
      %dma_start3A_41 = arith.constant 0 : i32
      %dma_start3A_42 = arith.constant 0 : i32
      %dma_start3A_43 = tpu.memref_slice %arg3[%add3A, %dma_start3A_41, %dma_start3A_42] : memref<32x79x128xi32, #tpu.memory_space<hbm>> -> memref<1x79x128xi32, #tpu.memory_space<hbm>>
      %dma_start3A_44 = tpu.memref_squeeze %dma_start3A_43 : memref<1x79x128xi32, #tpu.memory_space<hbm>> -> memref<79x128xi32, #tpu.memory_space<hbm>>
      tpu.enqueue_dma source(%dma_start3A_44 : memref<79x128xi32, #tpu.memory_space<hbm>>) target(%arg6 : memref<79x128xi32, #tpu.memory_space<vmem>>) target_semaphore(%run_scoped3A : memref<!tpu.dma_semaphore, #tpu.memory_space<semaphore_mem>>)
      %dma_wait3A = arith.constant 0 : i32
      %dma_wait3A_45 = arith.constant 0 : i32
      %dma_wait3A_46 = tpu.memref_slice %arg3[%add3A, %dma_wait3A, %dma_wait3A_45] : memref<32x79x128xi32, #tpu.memory_space<hbm>> -> memref<1x79x128xi32, #tpu.memory_space<hbm>>
      %dma_wait3A_47 = tpu.memref_squeeze %dma_wait3A_46 : memref<1x79x128xi32, #tpu.memory_space<hbm>> -> memref<79x128xi32, #tpu.memory_space<hbm>>
      %dma_wait3A_48 = arith.constant 0 : i32
      %dma_wait3A_49 = arith.constant 0 : i32
      %dma_wait3A_50 = tpu.memref_slice %arg3[%add3A, %dma_wait3A_48, %dma_wait3A_49] : memref<32x79x128xi32, #tpu.memory_space<hbm>> -> memref<1x79x128xi32, #tpu.memory_space<hbm>>
      %dma_wait3A_51 = tpu.memref_squeeze %dma_wait3A_50 : memref<1x79x128xi32, #tpu.memory_space<hbm>> -> memref<79x128xi32, #tpu.memory_space<hbm>>
      tpu.wait_dma2 semaphore(%run_scoped3A : memref<!tpu.dma_semaphore, #tpu.memory_space<semaphore_mem>>) src(%dma_wait3A_51 : memref<79x128xi32, #tpu.memory_space<hbm>>) dst(%arg6 : memref<79x128xi32, #tpu.memory_space<vmem>>)
      tpu.yield
    }) : () -> ()
    "tpu.region"() ({
      %run_scoped3A = tpu.sem_alloc : memref<!tpu.dma_semaphore, #tpu.memory_space<semaphore_mem>>
      %dma_start3A = arith.constant 0 : i32
      %dma_start3A_38 = arith.constant 0 : i32
      %dma_start3A_39 = tpu.memref_slice %arg4[%add3A, %dma_start3A, %dma_start3A_38] : memref<32x79x128xi32, #tpu.memory_space<hbm>> -> memref<1x79x128xi32, #tpu.memory_space<hbm>>
      %dma_start3A_40 = tpu.memref_squeeze %dma_start3A_39 : memref<1x79x128xi32, #tpu.memory_space<hbm>> -> memref<79x128xi32, #tpu.memory_space<hbm>>
      %dma_start3A_41 = arith.constant 0 : i32
      %dma_start3A_42 = arith.constant 0 : i32
      %dma_start3A_43 = tpu.memref_slice %arg4[%add3A, %dma_start3A_41, %dma_start3A_42] : memref<32x79x128xi32, #tpu.memory_space<hbm>> -> memref<1x79x128xi32, #tpu.memory_space<hbm>>
      %dma_start3A_44 = tpu.memref_squeeze %dma_start3A_43 : memref<1x79x128xi32, #tpu.memory_space<hbm>> -> memref<79x128xi32, #tpu.memory_space<hbm>>
      tpu.enqueue_dma source(%dma_start3A_44 : memref<79x128xi32, #tpu.memory_space<hbm>>) target(%arg7 : memref<79x128xi32, #tpu.memory_space<vmem>>) target_semaphore(%run_scoped3A : memref<!tpu.dma_semaphore, #tpu.memory_space<semaphore_mem>>)
      %dma_wait3A = arith.constant 0 : i32
      %dma_wait3A_45 = arith.constant 0 : i32
      %dma_wait3A_46 = tpu.memref_slice %arg4[%add3A, %dma_wait3A, %dma_wait3A_45] : memref<32x79x128xi32, #tpu.memory_space<hbm>> -> memref<1x79x128xi32, #tpu.memory_space<hbm>>
      %dma_wait3A_47 = tpu.memref_squeeze %dma_wait3A_46 : memref<1x79x128xi32, #tpu.memory_space<hbm>> -> memref<79x128xi32, #tpu.memory_space<hbm>>
      %dma_wait3A_48 = arith.constant 0 : i32
      %dma_wait3A_49 = arith.constant 0 : i32
      %dma_wait3A_50 = tpu.memref_slice %arg4[%add3A, %dma_wait3A_48, %dma_wait3A_49] : memref<32x79x128xi32, #tpu.memory_space<hbm>> -> memref<1x79x128xi32, #tpu.memory_space<hbm>>
      %dma_wait3A_51 = tpu.memref_squeeze %dma_wait3A_50 : memref<1x79x128xi32, #tpu.memory_space<hbm>> -> memref<79x128xi32, #tpu.memory_space<hbm>>
      tpu.wait_dma2 semaphore(%run_scoped3A : memref<!tpu.dma_semaphore, #tpu.memory_space<semaphore_mem>>) src(%dma_wait3A_51 : memref<79x128xi32, #tpu.memory_space<hbm>>) dst(%arg7 : memref<79x128xi32, #tpu.memory_space<vmem>>)
      tpu.yield
    }) : () -> ()
    %scan3A_27 = arith.constant 0 : i32
    %scan3A_28 = arith.constant 0 : i32
    %scan3A_29 = arith.constant 79 : i32
    %scan3A_30 = arith.addi %scan3A_28, %scan3A_29 : i32
    %scan3A_31 = arith.constant 1 : i32
    scf.for %scan3A_38 = %scan3A_28 to %scan3A_30 step %scan3A_31  : i32 {
      %dma_start3A = arith.constant 0 : i32
      %dma_start3A_39 = tpu.memref_slice %arg6[%scan3A_38, %dma_start3A] : memref<79x128xi32, #tpu.memory_space<vmem>> -> memref<1x128xi32, #tpu.memory_space<vmem>>
      %dma_start3A_40 = tpu.memref_squeeze %dma_start3A_39 : memref<1x128xi32, #tpu.memory_space<vmem>> -> memref<128xi32, #tpu.memory_space<vmem>>
      %dma_start3A_41 = arith.constant 0 : i32
      %dma_start3A_42 = arith.constant 0 : i32
      %dma_start3A_43 = tpu.memref_slice %arg2[%dma_start3A_41, %dma_start3A_42] : memref<10240x128xf32, #tpu.memory_space<hbm>> -> memref<10240x128xf32, #tpu.memory_space<hbm>>
      tpu.enqueue_indirect_dma source(%dma_start3A_43 : memref<10240x128xf32, #tpu.memory_space<hbm>>) target(%arg8 : memref<128x128xf32, #tpu.memory_space<vmem>>) offsets(%dma_start3A_40 : memref<128xi32, #tpu.memory_space<vmem>>) semaphore(%arg10 : memref<!tpu.dma_semaphore, #tpu.memory_space<semaphore_mem>>)
      %dma_wait3A = arith.constant 0 : i32
      %dma_wait3A_44 = tpu.memref_slice %arg6[%scan3A_38, %dma_wait3A] : memref<79x128xi32, #tpu.memory_space<vmem>> -> memref<1x128xi32, #tpu.memory_space<vmem>>
      %dma_wait3A_45 = tpu.memref_squeeze %dma_wait3A_44 : memref<1x128xi32, #tpu.memory_space<vmem>> -> memref<128xi32, #tpu.memory_space<vmem>>
      %dma_wait3A_46 = arith.constant 0 : i32
      %dma_wait3A_47 = arith.constant 0 : i32
      %dma_wait3A_48 = tpu.memref_slice %arg2[%dma_wait3A_46, %dma_wait3A_47] : memref<10240x128xf32, #tpu.memory_space<hbm>> -> memref<10240x128xf32, #tpu.memory_space<hbm>>
      tpu.wait_indirect_dma semaphore(%arg10 : memref<!tpu.dma_semaphore, #tpu.memory_space<semaphore_mem>>) src(%dma_wait3A_48 : memref<10240x128xf32, #tpu.memory_space<hbm>>) dst(%arg8 : memref<128x128xf32, #tpu.memory_space<vmem>>)
      "tpu.region"() ({
        %run_scoped3A = tpu.sem_alloc : memref<!tpu.dma_semaphore, #tpu.memory_space<semaphore_mem>>
        %dma_start3A_49 = arith.constant 0 : i32
        %dma_start3A_50 = tpu.memref_slice %arg7[%scan3A_38, %dma_start3A_49] : memref<79x128xi32, #tpu.memory_space<vmem>> -> memref<1x128xi32, #tpu.memory_space<vmem>>
        %dma_start3A_51 = tpu.memref_squeeze %dma_start3A_50 : memref<1x128xi32, #tpu.memory_space<vmem>> -> memref<128xi32, #tpu.memory_space<vmem>>
        %dma_start3A_52 = arith.constant 0 : i32
        %dma_start3A_53 = arith.constant 0 : i32
        %dma_start3A_54 = tpu.memref_slice %arg9[%dma_start3A_52, %dma_start3A_53] : memref<10240x128xf32, #tpu.memory_space<vmem_shared>> -> memref<10240x128xf32, #tpu.memory_space<vmem_shared>>
        tpu.enqueue_indirect_dma source(%arg8 : memref<128x128xf32, #tpu.memory_space<vmem>>) target(%dma_start3A_54 : memref<10240x128xf32, #tpu.memory_space<vmem_shared>>) offsets(%dma_start3A_51 : memref<128xi32, #tpu.memory_space<vmem>>) semaphore(%run_scoped3A : memref<!tpu.dma_semaphore, #tpu.memory_space<semaphore_mem>>) {add = true}
        %dma_wait3A_55 = arith.constant 0 : i32
        %dma_wait3A_56 = tpu.memref_slice %arg7[%scan3A_38, %dma_wait3A_55] : memref<79x128xi32, #tpu.memory_space<vmem>> -> memref<1x128xi32, #tpu.memory_space<vmem>>
        %dma_wait3A_57 = tpu.memref_squeeze %dma_wait3A_56 : memref<1x128xi32, #tpu.memory_space<vmem>> -> memref<128xi32, #tpu.memory_space<vmem>>
        %dma_wait3A_58 = arith.constant 0 : i32
        %dma_wait3A_59 = arith.constant 0 : i32
        %dma_wait3A_60 = tpu.memref_slice %arg9[%dma_wait3A_58, %dma_wait3A_59] : memref<10240x128xf32, #tpu.memory_space<vmem_shared>> -> memref<10240x128xf32, #tpu.memory_space<vmem_shared>>
        tpu.wait_indirect_dma semaphore(%run_scoped3A : memref<!tpu.dma_semaphore, #tpu.memory_space<semaphore_mem>>) src(%arg8 : memref<128x128xf32, #tpu.memory_space<vmem>>) dst(%dma_wait3A_60 : memref<10240x128xf32, #tpu.memory_space<vmem_shared>>)
        tpu.yield
      }) : () -> ()
    }
    %scan3A_32 = arith.constant 79 : i32
    %barrier3A_33 = arith.constant 0 : index
    tpu.barrier barrier_id(%barrier3A_33)
    %mul3A_34 = arith.constant 640 : i32
    %mul3A_35 = arith.muli %arg1, %mul3A_34 : i32
    %mul3A_36 = arith.constant 640 : i32
    %mul3A_37 = arith.muli %arg1, %mul3A_36 : i32
    "tpu.region"() ({
      %run_scoped3A = tpu.sem_alloc : memref<!tpu.dma_semaphore, #tpu.memory_space<semaphore_mem>>
      %dma_start3A = arith.constant 0 : i32
      %dma_start3A_38 = tpu.memref_slice %arg5[%arg0, %mul3A_37, %dma_start3A] : memref<2x10240x128xf32, #tpu.memory_space<hbm>> -> memref<1x640x128xf32, #tpu.memory_space<hbm>>
      %dma_start3A_39 = tpu.memref_squeeze %dma_start3A_38 : memref<1x640x128xf32, #tpu.memory_space<hbm>> -> memref<640x128xf32, #tpu.memory_space<hbm>>
      %dma_start3A_40 = arith.constant 0 : i32
      %dma_start3A_41 = tpu.memref_slice %arg9[%mul3A_35, %dma_start3A_40] : memref<10240x128xf32, #tpu.memory_space<vmem_shared>> -> memref<640x128xf32, #tpu.memory_space<vmem_shared>>
      tpu.enqueue_dma source(%dma_start3A_41 : memref<640x128xf32, #tpu.memory_space<vmem_shared>>) target(%dma_start3A_39 : memref<640x128xf32, #tpu.memory_space<hbm>>) target_semaphore(%run_scoped3A : memref<!tpu.dma_semaphore, #tpu.memory_space<semaphore_mem>>)
      %dma_wait3A = arith.constant 0 : i32
      %dma_wait3A_42 = tpu.memref_slice %arg5[%arg0, %mul3A_37, %dma_wait3A] : memref<2x10240x128xf32, #tpu.memory_space<hbm>> -> memref<1x640x128xf32, #tpu.memory_space<hbm>>
      %dma_wait3A_43 = tpu.memref_squeeze %dma_wait3A_42 : memref<1x640x128xf32, #tpu.memory_space<hbm>> -> memref<640x128xf32, #tpu.memory_space<hbm>>
      %dma_wait3A_44 = arith.constant 0 : i32
      %dma_wait3A_45 = tpu.memref_slice %arg9[%mul3A_35, %dma_wait3A_44] : memref<10240x128xf32, #tpu.memory_space<vmem_shared>> -> memref<640x128xf32, #tpu.memory_space<vmem_shared>>
      tpu.wait_dma2 semaphore(%run_scoped3A : memref<!tpu.dma_semaphore, #tpu.memory_space<semaphore_mem>>) src(%dma_wait3A_45 : memref<640x128xf32, #tpu.memory_space<vmem_shared>>) dst(%dma_wait3A_43 : memref<640x128xf32, #tpu.memory_space<hbm>>)
      tpu.yield
    }) : () -> ()
    return
  }
}

module attributes {stable_mosaic.version = 14 : i64} {
  func.func @body(%arg0: i32, %arg1: memref<1000x128xf32, #tpu.memory_space<vmem>>, %arg2: memref<128x128xf32, #tpu.memory_space<vmem>>, %arg3: memref<1x128xf32, #tpu.memory_space<vmem>>, %arg4: memref<1000x1xf32, #tpu.memory_space<vmem>>, %arg5: memref<1000x128xf32, #tpu.memory_space<vmem>>) attributes {dimension_semantics = [#tpu.dimension_semantics<arbitrary>], iteration_bounds = array<i64: 10>, scalar_prefetch = 0 : i64, scratch_operands = 0 : i64, tpu.core_type = #tpu.core_type<tc>, window_params = [{transform_indices = @transform_0, window_bounds = array<i64: 1000, 128>}, {pipeline_mode = #tpu.pipeline_mode<synchronous>, transform_indices = @transform_1, window_bounds = array<i64: 128, 128>}, {pipeline_mode = #tpu.pipeline_mode<synchronous>, transform_indices = @transform_2, window_bounds = array<i64: 1, 128>}, {transform_indices = @transform_3, window_bounds = array<i64: 1000, 1>}, {transform_indices = @transform_4, window_bounds = array<i64: 1000, 128>}]} {
    %get3A = arith.constant 0 : index
    %get3A_0 = arith.constant 0 : index
    %get3A_1 = vector.load %arg1[%get3A, %get3A_0] : memref<1000x128xf32, #tpu.memory_space<vmem>>, vector<1000x128xf32>
    %get3A_2 = arith.constant 0 : index
    %get3A_3 = arith.constant 0 : index
    %get3A_4 = vector.load %arg2[%get3A_2, %get3A_3] : memref<128x128xf32, #tpu.memory_space<vmem>>, vector<128x128xf32>
    %dot_general3A = arith.constant dense<0.000000e+00> : vector<1000x128xf32>
    %dot_general3A_5 = tpu.matmul %get3A_1, %get3A_4, %dot_general3A {dimension_numbers = #tpu.dot_dimension_numbers<[1], [0], [0], [1], [0, 0, 1, 1], [], []>, transpose_lhs_hint = false} : vector<1000x128xf32>, vector<128x128xf32>, vector<1000x128xf32> -> vector<1000x128xf32>
    %get3A_6 = arith.constant 0 : index
    %get3A_7 = arith.constant 0 : index
    %get3A_8 = vector.load %arg3[%get3A_6, %get3A_7] : memref<1x128xf32, #tpu.memory_space<vmem>>, vector<1x128xf32>
    %add3A = vector.broadcast %get3A_8 : vector<1x128xf32> to vector<1000x128xf32>
    %add3A_9 = arith.addf %dot_general3A_5, %add3A : vector<1000x128xf32>
    %get3A_10 = arith.constant 0 : index
    %get3A_11 = arith.constant 0 : index
    %get3A_12 = vector.load %arg4[%get3A_10, %get3A_11] : memref<1000x1xf32, #tpu.memory_space<vmem>>, vector<1000x1xf32>
    %mul3A = vector.broadcast %get3A_12 : vector<1000x1xf32> to vector<1000x128xf32>
    %mul3A_13 = arith.mulf %add3A_9, %mul3A : vector<1000x128xf32>
    %swap3A = arith.constant 0 : index
    %swap3A_14 = arith.constant 0 : index
    %swap3A_15 = vector.load %arg5[%swap3A, %swap3A_14] : memref<1000x128xf32, #tpu.memory_space<vmem>>, vector<1000x128xf32>
    tpu.vector_store %arg5[%swap3A, %swap3A_14], %mul3A_13 {strides = array<i32>} : memref<1000x128xf32, #tpu.memory_space<vmem>>, vector<1000x128xf32>,
    return
  }
  func.func @transform_0(%arg0: i32) -> (i32, i32) {
    %c0_i32 = arith.constant 0 : i32
    %c0_i32_0 = arith.constant 0 : i32
    return %arg0, %c0_i32 : i32, i32
  }
  func.func @transform_1(%arg0: i32) -> (i32, i32) {
    %c0_i32 = arith.constant 0 : i32
    %c0_i32_0 = arith.constant 0 : i32
    %c0_i32_1 = arith.constant 0 : i32
    return %c0_i32, %c0_i32_0 : i32, i32
  }
  func.func @transform_2(%arg0: i32) -> (i32, i32) {
    %c0_i32 = arith.constant 0 : i32
    %c0_i32_0 = arith.constant 0 : i32
    %c0_i32_1 = arith.constant 0 : i32
    return %c0_i32, %c0_i32_0 : i32, i32
  }
  func.func @transform_3(%arg0: i32) -> (i32, i32) {
    %c0_i32 = arith.constant 0 : i32
    %c0_i32_0 = arith.constant 0 : i32
    return %arg0, %c0_i32 : i32, i32
  }
  func.func @transform_4(%arg0: i32) -> (i32, i32) {
    %c0_i32 = arith.constant 0 : i32
    %c0_i32_0 = arith.constant 0 : i32
    return %arg0, %c0_i32 : i32, i32
  }
}

module attributes {stable_mosaic.version = 14 : i64} {
  func.func @body(%arg0: i32, %arg1: memref<2x1024x128xf32, #tpu.memory_space<vmem>>, %arg2: memref<1024x1xf32, #tpu.memory_space<vmem>>, %arg3: memref<128x128xf32, #tpu.memory_space<vmem>>, %arg4: memref<1x128xf32, #tpu.memory_space<vmem>>, %arg5: memref<1024x1xf32, #tpu.memory_space<vmem>>, %arg6: memref<1024x128xf32, #tpu.memory_space<vmem>>) attributes {dimension_semantics = [#tpu.dimension_semantics<arbitrary>], iteration_bounds = array<i64: 10>, scalar_prefetch = 0 : i64, scratch_operands = 0 : i64, tpu.core_type = #tpu.core_type<tc>, window_params = [{transform_indices = @transform_0, window_bounds = array<i64: 2, 1024, 128>}, {transform_indices = @transform_1, window_bounds = array<i64: 1024, 1>}, {pipeline_mode = #tpu.pipeline_mode<synchronous>, transform_indices = @transform_2, window_bounds = array<i64: 128, 128>}, {pipeline_mode = #tpu.pipeline_mode<synchronous>, transform_indices = @transform_3, window_bounds = array<i64: 1, 128>}, {transform_indices = @transform_4, window_bounds = array<i64: 1024, 1>}, {transform_indices = @transform_5, window_bounds = array<i64: 1024, 128>}]} {
    %get3A = arith.constant 0 : index
    %get3A_0 = arith.constant 0 : index
    %get3A_1 = arith.constant 0 : index
    %get3A_2 = vector.load %arg1[%get3A, %get3A_0, %get3A_1] : memref<2x1024x128xf32, #tpu.memory_space<vmem>>, vector<1x1024x128xf32>
    %get3A_3 = vector.shape_cast %get3A_2 : vector<1x1024x128xf32> to vector<1024x128xf32>
    %get3A_4 = arith.constant 1 : index
    %get3A_5 = arith.constant 0 : index
    %get3A_6 = arith.constant 0 : index
    %get3A_7 = vector.load %arg1[%get3A_4, %get3A_5, %get3A_6] : memref<2x1024x128xf32, #tpu.memory_space<vmem>>, vector<1x1024x128xf32>
    %get3A_8 = vector.shape_cast %get3A_7 : vector<1x1024x128xf32> to vector<1024x128xf32>
    %add3A = arith.addf %get3A_3, %get3A_8 : vector<1024x128xf32>
    %get3A_9 = arith.constant 0 : index
    %get3A_10 = arith.constant 0 : index
    %get3A_11 = vector.load %arg2[%get3A_9, %get3A_10] : memref<1024x1xf32, #tpu.memory_space<vmem>>, vector<1024x1xf32>
    %mul3A = vector.broadcast %get3A_11 : vector<1024x1xf32> to vector<1024x128xf32>
    %mul3A_12 = arith.mulf %add3A, %mul3A : vector<1024x128xf32>
    %max3A = arith.constant 0.000000e+00 : f32
    %max3A_13 = vector.broadcast %max3A : f32 to vector<1024x128xf32>
    %max3A_14 = arith.maximumf %mul3A_12, %max3A_13 : vector<1024x128xf32>
    %get3A_15 = arith.constant 0 : index
    %get3A_16 = arith.constant 0 : index
    %get3A_17 = vector.load %arg3[%get3A_15, %get3A_16] : memref<128x128xf32, #tpu.memory_space<vmem>>, vector<128x128xf32>
    %dot_general3A = arith.constant dense<0.000000e+00> : vector<1024x128xf32>
    %dot_general3A_18 = tpu.matmul %max3A_14, %get3A_17, %dot_general3A {dimension_numbers = #tpu.dot_dimension_numbers<[1], [0], [0], [1], [0, 0, 1, 1], [], []>, transpose_lhs_hint = false} : vector<1024x128xf32>, vector<128x128xf32>, vector<1024x128xf32> -> vector<1024x128xf32>
    %get3A_19 = arith.constant 0 : index
    %get3A_20 = arith.constant 0 : index
    %get3A_21 = vector.load %arg4[%get3A_19, %get3A_20] : memref<1x128xf32, #tpu.memory_space<vmem>>, vector<1x128xf32>
    %add3A_22 = vector.broadcast %get3A_21 : vector<1x128xf32> to vector<1024x128xf32>
    %add3A_23 = arith.addf %dot_general3A_18, %add3A_22 : vector<1024x128xf32>
    %get3A_24 = arith.constant 0 : index
    %get3A_25 = arith.constant 0 : index
    %get3A_26 = vector.load %arg5[%get3A_24, %get3A_25] : memref<1024x1xf32, #tpu.memory_space<vmem>>, vector<1024x1xf32>
    %mul3A_27 = vector.broadcast %get3A_26 : vector<1024x1xf32> to vector<1024x128xf32>
    %mul3A_28 = arith.mulf %add3A_23, %mul3A_27 : vector<1024x128xf32>
    %swap3A = arith.constant 0 : index
    %swap3A_29 = arith.constant 0 : index
    %swap3A_30 = vector.load %arg6[%swap3A, %swap3A_29] : memref<1024x128xf32, #tpu.memory_space<vmem>>, vector<1024x128xf32>
    tpu.vector_store %arg6[%swap3A, %swap3A_29], %mul3A_28 {strides = array<i32>} : memref<1024x128xf32, #tpu.memory_space<vmem>>, vector<1024x128xf32>,
    return
  }
  func.func @transform_0(%arg0: i32) -> (i32, i32, i32) {
    %c0_i32 = arith.constant 0 : i32
    %c0_i32_0 = arith.constant 0 : i32
    %c0_i32_1 = arith.constant 0 : i32
    return %c0_i32, %arg0, %c0_i32_0 : i32, i32, i32
  }
  func.func @transform_1(%arg0: i32) -> (i32, i32) {
    %c0_i32 = arith.constant 0 : i32
    %c0_i32_0 = arith.constant 0 : i32
    return %arg0, %c0_i32 : i32, i32
  }
  func.func @transform_2(%arg0: i32) -> (i32, i32) {
    %c0_i32 = arith.constant 0 : i32
    %c0_i32_0 = arith.constant 0 : i32
    %c0_i32_1 = arith.constant 0 : i32
    return %c0_i32, %c0_i32_0 : i32, i32
  }
  func.func @transform_3(%arg0: i32) -> (i32, i32) {
    %c0_i32 = arith.constant 0 : i32
    %c0_i32_0 = arith.constant 0 : i32
    %c0_i32_1 = arith.constant 0 : i32
    return %c0_i32, %c0_i32_0 : i32, i32
  }
  func.func @transform_4(%arg0: i32) -> (i32, i32) {
    %c0_i32 = arith.constant 0 : i32
    %c0_i32_0 = arith.constant 0 : i32
    return %arg0, %c0_i32 : i32, i32
  }
  func.func @transform_5(%arg0: i32) -> (i32, i32) {
    %c0_i32 = arith.constant 0 : i32
    %c0_i32_0 = arith.constant 0 : i32
    return %arg0, %c0_i32 : i32, i32
  }
}

module attributes {stable_mosaic.version = 14 : i64} {
  func.func @body(%arg0: i32, %arg1: memref<2x1024x128xf32, #tpu.memory_space<vmem>>, %arg2: memref<1024x1xf32, #tpu.memory_space<vmem>>, %arg3: memref<1024x128xf32, #tpu.memory_space<vmem>>) attributes {dimension_semantics = [#tpu.dimension_semantics<arbitrary>], iteration_bounds = array<i64: 10>, scalar_prefetch = 0 : i64, scratch_operands = 0 : i64, tpu.core_type = #tpu.core_type<tc>, window_params = [{transform_indices = @transform_0, window_bounds = array<i64: 2, 1024, 128>}, {transform_indices = @transform_1, window_bounds = array<i64: 1024, 1>}, {transform_indices = @transform_2, window_bounds = array<i64: 1024, 128>}]} {
    %get3A = arith.constant 0 : index
    %get3A_0 = arith.constant 0 : index
    %get3A_1 = arith.constant 0 : index
    %get3A_2 = vector.load %arg1[%get3A, %get3A_0, %get3A_1] : memref<2x1024x128xf32, #tpu.memory_space<vmem>>, vector<1x1024x128xf32>
    %get3A_3 = vector.shape_cast %get3A_2 : vector<1x1024x128xf32> to vector<1024x128xf32>
    %get3A_4 = arith.constant 1 : index
    %get3A_5 = arith.constant 0 : index
    %get3A_6 = arith.constant 0 : index
    %get3A_7 = vector.load %arg1[%get3A_4, %get3A_5, %get3A_6] : memref<2x1024x128xf32, #tpu.memory_space<vmem>>, vector<1x1024x128xf32>
    %get3A_8 = vector.shape_cast %get3A_7 : vector<1x1024x128xf32> to vector<1024x128xf32>
    %add3A = arith.addf %get3A_3, %get3A_8 : vector<1024x128xf32>
    %get3A_9 = arith.constant 0 : index
    %get3A_10 = arith.constant 0 : index
    %get3A_11 = vector.load %arg2[%get3A_9, %get3A_10] : memref<1024x1xf32, #tpu.memory_space<vmem>>, vector<1024x1xf32>
    %mul3A = vector.broadcast %get3A_11 : vector<1024x1xf32> to vector<1024x128xf32>
    %mul3A_12 = arith.mulf %add3A, %mul3A : vector<1024x128xf32>
    %swap3A = arith.constant 0 : index
    %swap3A_13 = arith.constant 0 : index
    %swap3A_14 = vector.load %arg3[%swap3A, %swap3A_13] : memref<1024x128xf32, #tpu.memory_space<vmem>>, vector<1024x128xf32>
    tpu.vector_store %arg3[%swap3A, %swap3A_13], %mul3A_12 {strides = array<i32>} : memref<1024x128xf32, #tpu.memory_space<vmem>>, vector<1024x128xf32>,
    return
  }
  func.func @transform_0(%arg0: i32) -> (i32, i32, i32) {
    %c0_i32 = arith.constant 0 : i32
    %c0_i32_0 = arith.constant 0 : i32
    %c0_i32_1 = arith.constant 0 : i32
    return %c0_i32, %arg0, %c0_i32_0 : i32, i32, i32
  }
  func.func @transform_1(%arg0: i32) -> (i32, i32) {
    %c0_i32 = arith.constant 0 : i32
    %c0_i32_0 = arith.constant 0 : i32
    return %arg0, %c0_i32 : i32, i32
  }
  func.func @transform_2(%arg0: i32) -> (i32, i32) {
    %c0_i32 = arith.constant 0 : i32
    %c0_i32_0 = arith.constant 0 : i32
    return %arg0, %c0_i32 : i32, i32
  }
}

</mosaic_0001>

<sc_bundles>
// kernel: kernel.11.cloned.1.call-start
scs
__scs_entry_jumppad:
0x0: {  	(pc) =	sbr.rel $0x88, $3  }
0x1: {  	(tag) =	ssettag $0x0;
	lr =	simm.s32 $0x1  }
0x2: {  	[smem:$0x3F93] =	sst lr;
	_ =	strace $0xD0000000  }
0x3: {  	_ = 	snop  }
0x4: {  	_ = 	snop  }
0x5: {  	_ = 	snop  }
0x6: {  	_ = 	snop  }
0x7: {  	_ = 	snop  }
__scs_overlays_trampoline_lowered:
0x8: {  	[smem:$0x3FA2] =	sst s0  }
0x9: {  	[smem:$0x3FA3] =	sst s1  }
0xa: {  	[smem:$0x3FA4] =	sst s2  }
0xb: {  	[smem:$0x3FA5] =	sst s3  }
0xc: {  	[smem:$0x3FA6] =	sst s4  }
0xd: {  	[smem:$0x3FA7] =	sst s5  }
0xe: {  	[smem:$0x3FA8] =	sst s6  }
0xf: {  	[smem:$0x3FA9] =	sst s7  }
0x10: {  	[smem:$0x3FAA] =	sst s8  }
0x11: {  	[smem:$0x3FAB] =	sst s9;
	s0 =	simm.s32 @!p0 $0x0  }
0x12: {  	s1 =	sld [smem:$0x3F91];
	s0 =	simm.s32 @p0 $0x1  }
0x13: {  	[smem:$0x3FAC] =	sst s0;
	s0 =	simm.s32 @!p1 $0x0  }
0x14: {  	s2 =	sld [smem:$0x3F90];
	s0 =	simm.s32 @p1 $0x1  }
0x15: {  	[smem:$0x3FAD] =	sst s0;
	s0 =	simm.s32 @!p2 $0x0  }
0x16: {  	s3 =	sld [smem:$0x3FDB];
	s0 =	simm.s32 @p2 $0x1  }
0x17: {  	s4 =	simm.s32 $0x1BF5;
	[smem:$0x3FAF] =	sst s0  }
0x18: {  	s0 =	sld [smem:$0x3F92];
	_ =	swait.ge [sflag:s4], $0x0  }
0x19: {  	s7 =	sld [smem:$0x3F93]  }
0x1a: {  	s8 =	sadd.s32 $0xFFFFE003, lr  }
0x1b: {  	s9 =	sadd.s32 $0xFFFFFEF7, lr;
	s5 =	simm.s32 $0xFFFFFFFF;
	p2 =	slt.u32 s8, $0xFFFFF086  }
0x1c: {  	p1 =	slt.u32 s9, $0xF7A;
	s5 =	simm.s32 @!p2 $0x0  }
0x1d: {  	s5 =	simm.s32 @p1 $0x1;
	p0 =	seq.s32 s7, s2  }
0x1e: {  	s7 =	smul.u32 @!p0 $0xF7A, s2;
	p2 =	seq.s32 @!p0 s5, $0x0  }
0x1f: {  	s9 =	smul.u32 $0xF7A, s1;
	s8 =	simm.s32 @!p0 $0x1BF5;
	p2 =	por !p2, p0  }
0x20: {  	[sflag:s8] =	ssyncset.s32 @!p0 $0xFFFFF086;
	s6 =	sadd.s32 @!p0 s3, s7;
	s7 =	simm.s32 @!p0 $0x108  }
0x21: {  	s3 =	sadd.s32 s3, s9;
	s6 =	sadd.s32 @!p0 $0x88, s6;
	s7 =	simm.s32 @p2 $0x1082  }
0x22: {  	[simem:s7], [sflag:s8] =	dma.local @!p0 [hbm:s6], $0xF7A  }
0x23: {  	s9 =	sor.u32 $0xD0000000, s2;
	s6 =	simm.s32 $0x108;
	_ =	swait.ge @!p0 [sflag:s8], $0x0  }
0x24: {  	s3 =	sadd.s32 $0x88, s3;
	s6 =	simm.s32 @!p1 $0x1082;
	[sflag:s4] =	ssyncset.s32 $0xFFFFF086  }
0x25: {  	[simem:s6], [sflag:s4] =	dma.local [hbm:s3], $0xF7A  }
0x26: {  	[smem:$0x3F93] =	sst s1;
	(tag) =	ssettag s2;
	_ =	strace s9  }
0x27: {  	s1 =	sld [smem:$0x3FA3]  }
0x28: {  	s2 =	sld [smem:$0x3FA4]  }
0x29: {  	s4 =	sld [smem:$0x3FA6]  }
0x2a: {  	p0 =	seq.s32 s5, $0x0;
	s5 =	sld [smem:$0x3FA7]  }
0x2b: {  	s6 =	sld [smem:$0x3FA8]  }
0x2c: {  	s7 =	sld [smem:$0x3FA9]  }
0x2d: {  	s3 =	simm.s32 $0x108;
	s8 =	sld [smem:$0x3FAA]  }
0x2e: {  	s3 =	simm.s32 @!p0 $0x1082;
	s9 =	sld [smem:$0x3FAB]  }
0x2f: {  	lr =	sadd.s32 s0, s3;
	s0 =	sld [smem:$0x3FA2]  }
0x30: {  	s3 =	sld [smem:$0x3FA5]  }
0x31: {  	[smem:$0x3FAE] =	sst s10  }
0x32: {  	s10 =	sld [smem:$0x3FAC];
	_ =	sdelay $0x3  }
0x33: {  	p0 =	seq.s32 s10, $0x1;
	s10 =	sld [smem:$0x3FAE];
	_ =	sdelay $0x3  }
0x34: {  	[smem:$0x3FAE] =	sst s10  }
0x35: {  	s10 =	sld [smem:$0x3FAD];
	_ =	sdelay $0x3  }
0x36: {  	p1 =	seq.s32 s10, $0x1;
	s10 =	sld [smem:$0x3FAE];
	_ =	sdelay $0x3  }
0x37: {  	[smem:$0x3FAE] =	sst s10  }
0x38: {  	s10 =	sld [smem:$0x3FAF]  }
0x39: {  	_ = 	snop;
	(pc) =	sbr.ind lr, $3  }
0x3a: {  	_ = 	snop  }
0x3b: {  	_ = 	snop  }
0x3c: {  	p2 =	seq.s32 s10, $0x1;
	s10 =	sld [smem:$0x3FAE]  }
0x3d: {  	_ =	shalt  }
0x3e: {  	_ =	shalt  }
0x3f: {  	_ =	shalt  }
0x40: {  	_ =	shalt  }
0x41: {  	_ =	shalt  }
0x42: {  	_ =	shalt  }
0x43: {  	_ =	shalt  }
0x44: {  	_ =	shalt  }
0x45: {  	_ =	shalt  }
0x46: {  	_ =	shalt  }
0x47: {  	_ =	shalt  }
0x48: {  	_ =	shalt  }
0x49: {  	_ =	shalt  }
0x4a: {  	_ =	shalt  }
0x4b: {  	_ =	shalt  }
0x4c: {  	_ =	shalt  }
0x4d: {  	_ =	shalt  }
0x4e: {  	_ =	shalt  }
0x4f: {  	_ =	shalt  }
0x50: {  	_ =	shalt  }
0x51: {  	_ =	shalt  }
0x52: {  	_ =	shalt  }
0x53: {  	_ =	shalt  }
0x54: {  	_ =	shalt  }
0x55: {  	_ =	shalt  }
0x56: {  	_ =	shalt  }
0x57: {  	_ =	shalt  }
0x58: {  	_ =	shalt  }
0x59: {  	_ =	shalt  }
0x5a: {  	_ =	shalt  }
0x5b: {  	_ =	shalt  }
0x5c: {  	_ =	shalt  }
0x5d: {  	_ =	shalt  }
0x5e: {  	_ =	shalt  }
0x5f: {  	_ =	shalt  }
0x60: {  	_ =	shalt  }
0x61: {  	_ =	shalt  }
0x62: {  	_ =	shalt  }
0x63: {  	_ =	shalt  }
0x64: {  	_ =	shalt  }
0x65: {  	_ =	shalt  }
0x66: {  	_ =	shalt  }
0x67: {  	_ =	shalt  }
0x68: {  	_ =	shalt  }
0x69: {  	_ =	shalt  }
0x6a: {  	_ =	shalt  }
0x6b: {  	_ =	shalt  }
0x6c: {  	_ =	shalt  }
0x6d: {  	_ =	shalt  }
0x6e: {  	_ =	shalt  }
0x6f: {  	_ =	shalt  }
0x70: {  	_ =	shalt  }
0x71: {  	_ =	shalt  }
0x72: {  	_ =	shalt  }
0x73: {  	_ =	shalt  }
0x74: {  	_ =	shalt  }
0x75: {  	_ =	shalt  }
0x76: {  	_ =	shalt  }
0x77: {  	_ =	shalt  }
0x78: {  	_ =	shalt  }
0x79: {  	_ =	shalt  }
0x7a: {  	_ =	shalt  }
0x7b: {  	_ =	shalt  }
0x7c: {  	_ =	shalt  }
0x7d: {  	_ =	shalt  }
0x7e: {  	_ =	shalt  }
0x7f: {  	_ =	shalt  }
0x80: {  	_ =	shalt  }
0x81: {  	_ =	shalt  }
0x82: {  	_ =	shalt  }
0x83: {  	_ =	shalt  }
0x84: {  	_ =	shalt  }
0x85: {  	_ =	shalt  }
0x86: {  	_ =	shalt  }
0x87: {  	_ =	shalt  }
.Lfunc_end0:
.L_simem_size_0:
called_computation_lowered:
.L_overlay_start_0:
0x88: {  	s2 =	sld [smem:$0x3FD9]  }
0x89: {  	s3 =	sld [smem:$0x3FFE];
	_ =	sdelay $0x1  }
0x8a: {  	s1 =	srdreg.scid  }
0x8b: {  	s0 =	sand.u32 $0x1, s1  }
0x8c: {  	s17 =	sshll.u32 s0, $0xA;
	s2 =	sadd.s32 s3, s2  }
0x8d: {  	s2 =	sadd.s32 s2, s17  }
0x8e: {  	[smem:$0x3FBA] =	sst s2  }
0x8f: {  	_ = 	snop  }
0x90: {  	s2 =	sld [smem:$0x3FD0];
	(tm) =	ssettm $0x1  }
0x91: {  	s18 =	sld [smem:$0x3FFB];
	_ =	sdelay $0x3  }
0x92: {  	_ =	strace s18  }
0x93: {  	s3 =	sld [smem:$0x3FFC];
	_ =	sdelay $0x3  }
0x94: {  	_ =	strace s3  }
0x95: {  	s3 =	sld [smem:$0x3FFD];
	_ =	sdelay $0x3  }
0x96: {  	_ =	strace s3  }
0x97: {  	_ =	strace $0x8FFFFFFF  }
0x98: {  	s19 =	sld [smem:$0x3FDB];
	_ =	sdelay $0x1  }
0x99: {  	s4 =	simm.s32 $_scs_section_size  }
0x9a: {  	s5 =	simm.s32 $_size__tile_overlayer_lowered;
	s6 =	simm.s32 $_tile_overlayer_lowered  }
0x9b: {  	s22 =	simm.s32 $0x1BFF;
	s21 =	sshll.u32 s6, $0x1;
	s3 =	sadd.s32 s4, s19  }
0x9c: {  	s7 =	simm.s32 $0x0;
	s20 =	sshll.u32 s5, $0x1;
	s5 =	sadd.s32 s21, s3  }
0x9d: {  	[timem:s7], [sflag:s22] =	dma.local [hbm:s5], s20  }
0x9e: {  	_ =	swait.ge [sflag:s22], s20  }
0x9f: {  	s4 =	ssub.s32 $0x0, s20;
	[sflag:s22] =	ssyncset.done $0x0  }
0xa0: {  	[sflag:s22] =	ssyncadd.s32 s4;
	_ =	sdelay $0x1  }
0xa1: {  	s23 =	simm.s32 $0x1B8B  }
0xa2: {  	_ =	swait.ge [sflag:s23], $0x1  }
0xa3: {  	[sflag:s23] =	ssyncset.done $0x0  }
0xa4: {  	s25 =	simm.s32 $0x1B8E;
	s24 =	sld [smem:$0x3FFE];
	[sflag:s23] =	ssyncadd.s32 $0xFFFFFFFF  }
0xa5: {  	s26 =	simm.s32 $execute0_lowered;
	[smem:$0x3FD2] =	sst s25  }
0xa6: {  	s5 =	sshll.u32 s26, $0x1;
	_ =	strace $0x80000046;
	[dreg:$0x1] =	wrdreg $0xFFFFFFFF  }
0xa7: {  	s28 =	simm.s32 $_size_execute0_lowered;
	s3 =	sadd.s32 s3, s5;
	[dreg:$0x0] =	wrdreg $0x0  }
0xa8: {  	s5 =	sshll.u32 s28, $0x1;
	[dreg:$0x2] =	wrdreg s3  }
0xa9: {  	[dreg:$0x3] =	wrdreg s5  }
0xaa: {  	[dreg:$0x4] =	wrdreg $0xC0  }
0xab: {  	_ =	task [dreg:s7], $0x5FFFF  }
0xac: {  	[dreg:$0x1] =	wrdreg $0xFFFFFFFF  }
0xad: {  	[dreg:$0x0] =	wrdreg $0x60  }
0xae: {  	[dreg:$0x2] =	wrdreg s24  }
0xaf: {  	[dreg:$0x3] =	wrdreg s2  }
0xb0: {  	[dreg:$0x4] =	wrdreg $0x90000  }
0xb1: {  	[dreg:$0x5] =	wrdreg $0x9  }
0xb2: {  	_ =	task.clear_ibuf [dreg:s7], $0x6FFFF;
	_ =	strace $0x90000046  }
0xb3: {  	s29 =	simm.s32 $0x9;
	_ =	strace $0x80000048  }
0xb4: {  	_ =	swait.ge [sflag:s29], $0x1  }
0xb5: {  	[sflag:s29] =	ssyncadd.s32 $0xFFFFFFFF  }
0xb6: {  	_ =	strace $0x90000048  }
0xb7: {  	_ =	sfence  }
0xb8: {  	s30 =	sld [smem:$0x0];
	_ =	sdelay $0x2  }
0xb9: {  	s31 =	sshll.u32 s1, $0xD;
	s1 =	sshrl.u32 s1, $0x2  }
0xba: {  	s3 =	sand.u32 $0x4000, s31;
	s1 =	sadd.s32 s1, s30  }
0xbb: {  	s0 =	sor.u32 s3, s0;
	s1 =	sshll.u32 s1, $0x11  }
0xbc: {  	s0 =	sor.u32 s1, s0  }
0xbd: {  	s0 =	sadd.s32 $0x8F2B, s0  }
0xbe: {  	[sflag:s0] =	ssyncadd.remote.s32 $0x1  }
0xbf: {  	_ =	sfence.sel $0xFFFF  }
0xc0: {  	[dreg:$0x0] =	wrdreg $0xFFFFFFFF;
	(pc) =	sbr.abs _section_cstart, $3  }
0xc1: {  	[dreg:$0x1] =	wrdreg $0xFFFFFFFF  }
0xc2: {  	_ =	task.clear_ibuf [dreg:s7], $0x2FFFF;
	_ =	strace $0x9FFFFFFF  }
0xc3: {  	(tm) =	ssettm $0x7FFFFFFF  }
tec
execute0_lowered:
.L_overlay_start_1:
0x0: {  	(tag) =	ssettag $0x1  }
0x1: {  	s6 =	rddreg [dreg:$0x0]  }
0x2: {  	s1 =	srdreg.scid;
	s10 =	rddreg [dreg:$0x1]  }
0x3: {  	s0 =	stileid.u32;
	s2 =	rddreg [dreg:$0x2];
	s3 =	simm.s32 $0x0  }
0x4: {  	s15 =	simm.s32 $0x2;
	s16 =	simm.s32 $0x2800;
	s17 =	simm.s32 $0x80  }
0x5: {  	s18 =	simm.s32 $0x1;
	s5 =	sand.u32 $0x1, s1;
	s8 =	smul.u32 $0x14000, s0  }
0x6: {  	s28 =	sshll.u32 s0, $0x1;
	[smem:$0x7FF] =	sst s3;
	s9 =	smul.u32 $0x50000, s0  }
0x7: {  	s4 =	sadd.s32 $0xD400, s6;
	s19 =	sshll.u32 s0, $0x6;
	s1 =	sor.u32 s5, s28  }
0x8: {  	s7 =	smul.u32 $0x140000, s5;
	s29 =	ssub.s32 $0x2, s5;
	s19 =	sor.u32 $0x1C02, s19  }
0x9: {  	s11 =	smul.u32 $0x500, s1;
	s1 =	rddreg [dreg:$0x3];
	_ =	strace $0x80000047  }
0xa: {  	s30 =	sshrl.u32 s9, $0x2;
	s31 =	sshrl.u32 s29, $0x1;
	s7 =	sadd.s32 s8, s7  }
0xb: {  	s5 =	sadd.s32 s30, s2;
	s14 =	ssub.s32 s29, s31;
	s12 =	sadd.s32 s11, s6  }
0xc: {  	s7 =	sshrl.u32 s7, $0x3;
	s8 =	sadd.s32 $0xC000, s5;
	s9 =	sadd.s32 $0x10000, s5  }
0xd: {  	s10 =	sadd.s32 s10, s11;
	s20 =	sshrl.u32 s5, $0x3;
	s13 =	sadd.s32 s7, s6  }
0xe: {  	s6 =	sadd.s32 $0x4000, s5;
	s7 =	sadd.s32 $0x8000, s5;
	s11 =	sadd.s32 $0x3400, s12  }
0xf: {  	v0 =	vimm.f32 $0.0e+00;
	s12 =	sadd.s32 $0x34600, s13;
	s13 =	smax.u32 s14, $0x1;
	s14 =	simm.s32 $0x5000  }
.LBB2_1:
0x10: {  	s21 =	simm.s32 $0x0;
	s22 =	simm.s32 $0x200  }
.LBB2_2:
0x11: {  	p0 =	sne.s32 s22, $0xFE00;
	[tilespmem:s21+$0x5070] =	vst v0  }
0x12: {  	[tilespmem:s21+$0x5000] =	vst v0  }
0x13: {  	[tilespmem:s21+$0x5010] =	vst v0  }
.Ltmp0:
0x14: {  	[tilespmem:s21+$0x5020] =	vst v0;
	(pc) =	sbr.rel @p0 .LBB2_2-.Ltmp0, $4  }
0x15: {  	[tilespmem:s21+$0x5030] =	vst v0  }
0x16: {  	[tilespmem:s21+$0x5040] =	vst v0  }
0x17: {  	[tilespmem:s21+$0x5050] =	vst v0  }
0x18: {  	[tilespmem:s21+$0x5060] =	vst v0;
	s21 =	sshra.s32 s22, $0x2;
	s22 =	sadd.s32 $0x200, s22  }
0x19: {  	[tilespmem:s21+$0x5070] =	vst v0  }
0x1a: {  	[tilespmem:s21+$0x5000] =	vst v0  }
0x1b: {  	[tilespmem:s21+$0x5010] =	vst v0  }
0x1c: {  	[tilespmem:s21+$0x5020] =	vst v0  }
0x1d: {  	[tilespmem:s21+$0x5030] =	vst v0  }
0x1e: {  	[tilespmem:s21+$0x5040] =	vst v0  }
0x1f: {  	[tilespmem:s21+$0x5050] =	vst v0  }
0x20: {  	[tilespmem:s21+$0x5060] =	vst v0  }
0x21: {  	[spmem:s5] =	stream.linear.scatter [tilespmem:s14], [sflag:$0x2], $0x4000, $0x38;
	[tilespmem:$0x1D000] =	vst v63  }
0x22: {  	_ =	swait.ge [sflag:s15], $0x4000  }
0x23: {  	[sflag:s15] =	ssyncset.done $0x0  }
0x24: {  	[sflag:s15] =	ssyncadd.s32 $0xFFFFC000  }
0x25: {  	[spmem:s6] =	stream.linear.scatter [tilespmem:s14], [sflag:$0x2], $0x4000, $0x38;
	[tilespmem:$0x1D000] =	vst v63  }
0x26: {  	_ =	swait.ge [sflag:s15], $0x4000  }
0x27: {  	[sflag:s15] =	ssyncset.done $0x0  }
0x28: {  	[sflag:s15] =	ssyncadd.s32 $0xFFFFC000  }
0x29: {  	[spmem:s7] =	stream.linear.scatter [tilespmem:s14], [sflag:$0x2], $0x4000, $0x38;
	[tilespmem:$0x1D000] =	vst v63  }
0x2a: {  	_ =	swait.ge [sflag:s15], $0x4000  }
0x2b: {  	[sflag:s15] =	ssyncset.done $0x0  }
0x2c: {  	[sflag:s15] =	ssyncadd.s32 $0xFFFFC000  }
0x2d: {  	[spmem:s8] =	stream.linear.scatter [tilespmem:s14], [sflag:$0x2], $0x4000, $0x38;
	[tilespmem:$0x1D000] =	vst v63  }
0x2e: {  	_ =	swait.ge [sflag:s15], $0x4000  }
0x2f: {  	[sflag:s15] =	ssyncset.done $0x0  }
0x30: {  	[sflag:s15] =	ssyncadd.s32 $0xFFFFC000  }
0x31: {  	[spmem:s9] =	stream.linear.scatter [tilespmem:s14], [sflag:$0x2], $0x4000, $0x38;
	[tilespmem:$0x1D000] =	vst v63  }
0x32: {  	_ =	swait.ge [sflag:s15], $0x4000  }
0x33: {  	[sflag:s15] =	ssyncset.done $0x0  }
0x34: {  	[sflag:s15] =	ssyncadd.s32 $0xFFFFC000  }
0x35: {  	s29 =	simm.s32 $0x0;
	[bflag:$0x0] =	sbarrier.arrive $0xFFFF  }
0x36: {  	[tilespmem:s29], [sflag:$0x2] =	stream.linear.gather [hbm4b:s10+s29], $0x2780, $0x38;
	[tilespmem:$0x1D000] =	vst v63  }
0x37: {  	_ =	swait.ge [sflag:s15], $0x2780  }
0x38: {  	[sflag:s15] =	ssyncset.done $0x0  }
0x39: {  	[sflag:s15] =	ssyncadd.s32 $0xFFFFD880  }
0x3a: {  	[tilespmem:s16], [sflag:$0x2] =	stream.linear.gather [hbm4b:s11+s29], $0x2780, $0x38;
	[tilespmem:$0x1D000] =	vst v63  }
0x3b: {  	_ =	swait.ge [sflag:s15], $0x2780  }
0x3c: {  	[sflag:s15] =	ssyncset.done $0x0  }
0x3d: {  	s30 =	simm.s32 $0x0;
	[sflag:s15] =	ssyncadd.s32 $0xFFFFD880  }
0x3e: {  	[tilespmem:s14], [sflag:$0x1] =	stream.indirect.gather [hbm4b:s4+s17], $0x80, s30, s17, $0xb8;
	[tilespmem:$0x1D000] =	vst v63  }
0x3f: {  	_ =	swait.ge [sflag:s18], $0x4000  }
0x40: {  	[sflag:s18] =	ssyncset.done $0x0  }
0x41: {  	s31 =	simm.s32 $0x2800;
	[sflag:s18] =	ssyncadd.s32 $0xFFFFC000  }
0x42: {  	[spmem:s2] =	stream.indirect.scatter.add.f32 [tilespmem:s14], [sflag:$0x2], $0x80, s31, s17, $0xb8;
	[tilespmem:$0x1D000] =	vst v63  }
0x43: {  	_ =	swait.ge [sflag:s15], $0x4000  }
0x44: {  	s21 =	simm.s32 $0x200;
	s22 =	simm.s32 $0x400;
	[sflag:s15] =	ssyncset.done $0x0  }
.LBB2_4:
0x45: {  	s23 =	sshra.s32 s21, $0x2  }
0x46: {  	[sflag:s15] =	ssyncadd.s32 $0xFFFFC000;
	s21 =	smov.u32 s22;
	s24 =	sadd.s32 $0x200, s22  }
0x47: {  	[tilespmem:s14], [sflag:$0x1] =	stream.indirect.gather [hbm4b:s4+s17], $0x80, s23, s17, $0xb8;
	[tilespmem:$0x1D000] =	vst v63  }
0x48: {  	p0 =	sne.s32 s22, $0x9C00;
	_ =	swait.ge [sflag:s18], $0x4000  }
.Ltmp1:
0x49: {  	[sflag:s18] =	ssyncset.done $0x0;
	(pc) =	sbr.rel @p0 .LBB2_4-.Ltmp1, $4  }
0x4a: {  	s22 =	sadd.s32 $0x2800, s23;
	[sflag:s18] =	ssyncadd.s32 $0xFFFFC000  }
0x4b: {  	[spmem:s2] =	stream.indirect.scatter.add.f32 [tilespmem:s14], [sflag:$0x2], $0x80, s22, s17, $0xb8;
	[tilespmem:$0x1D000] =	vst v63  }
0x4c: {  	_ =	swait.ge [sflag:s15], $0x4000  }
0x4d: {  	s22 =	smov.u32 s24;
	[sflag:s15] =	ssyncset.done $0x0  }
0x4e: {  	s21 =	sshra.s32 s21, $0x2;
	[sflag:s15] =	ssyncadd.s32 $0xFFFFC000  }
0x4f: {  	[tilespmem:s14], [sflag:$0x1] =	stream.indirect.gather [hbm4b:s4+s17], $0x80, s21, s17, $0xb8;
	[tilespmem:$0x1D000] =	vst v63  }
0x50: {  	_ =	swait.ge [sflag:s18], $0x4000  }
0x51: {  	[sflag:s18] =	ssyncset.done $0x0  }
0x52: {  	s21 =	sadd.s32 $0x2800, s21;
	[sflag:s18] =	ssyncadd.s32 $0xFFFFC000  }
0x53: {  	[spmem:s2] =	stream.indirect.scatter.add.f32 [tilespmem:s14], [sflag:$0x2], $0x80, s21, s17, $0xb8;
	[tilespmem:$0x1D000] =	vst v63  }
0x54: {  	_ =	swait.ge [sflag:s15], $0x4000  }
0x55: {  	s3 =	sadd.s32 $0x1, s3;
	[sflag:s15] =	ssyncset.done $0x0  }
0x56: {  	p0 =	sne.s32 s3, s13;
	[sflag:s15] =	ssyncadd.s32 $0xFFFFC000  }
.Ltmp2:
0x57: {  	[bflag:$0x0] =	sbarrier.arrive $0xFFFF;
	(pc) =	sbr.rel @p0 .LBB2_1-.Ltmp2, $4  }
0x58: {  	[hbm:s12], [sflag:s19] =	dma.local [spmem:s20], $0x2800  }
0x59: {  	_ =	swait.ge [sflag:s15], $0x2800  }
0x5a: {  	[sflag:s15] =	ssyncset.done $0x0  }
0x5b: {  	[sflag:s15] =	ssyncadd.s32 $0xFFFFD800  }
0x5c: {  	_ =	sfence.sel $0x180000  }
0x5d: {  	[bflag:$0x0] =	sbarrier.arrive $0xFFFF  }
0x5e: {  	p0 =	sne.s32 s0, $0x0;
	_ =	strace $0x90000047  }
0x5f: {  	s0 =	sadd.s32 @!p0 $0x100000, s1;
	[bflag:$0x2] =	sbarrier.arrive $0xFFFF  }
0x60: {  	[sflag:s0] =	ssyncadd.tile.s32 @!p0 $0x1;
	_ =	shalt  }
.Lfunc_end2:
_tile_overlayer_lowered:
.L_overlay_start_2:
0x61: {  	(tag) =	ssettag $0x2  }
0x62: {  	s0 =	rddreg [dreg:$0x0];
	s2 =	stileid.u32  }
0x63: {  	s1 =	rddreg [dreg:$0x1];
	p0 =	sne.s32 s2, $0x0  }
0x64: {  	s3 =	rddreg [dreg:$0x2];
	[bflag:$0x3] =	sbarrier.arrive $0xFFFF;
	s2 =	simm.s32 @!p0 $0x1C02  }
0x65: {  	[timem:s3], [sflag:s2] =	dma.local @!p0 [hbm:s0], s1  }
0x66: {  	s0 =	simm.s32 @!p0 $0x2  }
0x67: {  	_ =	swait.ge @!p0 [sflag:s0], s1  }
0x68: {  	s1 =	ssub.s32 @!p0 $0x0, s1;
	[sflag:s0] =	ssyncset.done @!p0 $0x0  }
0x69: {  	[sflag:s0] =	ssyncadd.s32 @!p0 s1  }
0x6a: {  	[bflag:$0x3] =	sbarrier.arrive $0xFFFF  }
0x6b: {  	_ =	shalt  }

// kernel: kernel.14.cloned.1.call-start
scs
__scs_entry_jumppad:
0x0: {  	(pc) =	sbr.rel $0x88, $3  }
0x1: {  	(tag) =	ssettag $0x0;
	lr =	simm.s32 $0x1  }
0x2: {  	[smem:$0x3F93] =	sst lr;
	_ =	strace $0xD0000000  }
0x3: {  	_ = 	snop  }
0x4: {  	_ = 	snop  }
0x5: {  	_ = 	snop  }
0x6: {  	_ = 	snop  }
0x7: {  	_ = 	snop  }
__scs_overlays_trampoline_lowered:
0x8: {  	[smem:$0x3FA2] =	sst s0  }
0x9: {  	[smem:$0x3FA3] =	sst s1  }
0xa: {  	[smem:$0x3FA4] =	sst s2  }
0xb: {  	[smem:$0x3FA5] =	sst s3  }
0xc: {  	[smem:$0x3FA6] =	sst s4  }
0xd: {  	[smem:$0x3FA7] =	sst s5  }
0xe: {  	[smem:$0x3FA8] =	sst s6  }
0xf: {  	[smem:$0x3FA9] =	sst s7  }
0x10: {  	[smem:$0x3FAA] =	sst s8  }
0x11: {  	[smem:$0x3FAB] =	sst s9;
	s0 =	simm.s32 @!p0 $0x0  }
0x12: {  	s1 =	sld [smem:$0x3F91];
	s0 =	simm.s32 @p0 $0x1  }
0x13: {  	[smem:$0x3FAC] =	sst s0;
	s0 =	simm.s32 @!p1 $0x0  }
0x14: {  	s2 =	sld [smem:$0x3F90];
	s0 =	simm.s32 @p1 $0x1  }
0x15: {  	[smem:$0x3FAD] =	sst s0;
	s0 =	simm.s32 @!p2 $0x0  }
0x16: {  	s3 =	sld [smem:$0x3FDB];
	s0 =	simm.s32 @p2 $0x1  }
0x17: {  	s4 =	simm.s32 $0x1BF5;
	[smem:$0x3FAF] =	sst s0  }
0x18: {  	s0 =	sld [smem:$0x3F92];
	_ =	swait.ge [sflag:s4], $0x0  }
0x19: {  	s7 =	sld [smem:$0x3F93]  }
0x1a: {  	s8 =	sadd.s32 $0xFFFFE003, lr  }
0x1b: {  	s9 =	sadd.s32 $0xFFFFFEF7, lr;
	s5 =	simm.s32 $0xFFFFFFFF;
	p2 =	slt.u32 s8, $0xFFFFF086  }
0x1c: {  	p1 =	slt.u32 s9, $0xF7A;
	s5 =	simm.s32 @!p2 $0x0  }
0x1d: {  	s5 =	simm.s32 @p1 $0x1;
	p0 =	seq.s32 s7, s2  }
0x1e: {  	s7 =	smul.u32 @!p0 $0xF7A, s2;
	p2 =	seq.s32 @!p0 s5, $0x0  }
0x1f: {  	s9 =	smul.u32 $0xF7A, s1;
	s8 =	simm.s32 @!p0 $0x1BF5;
	p2 =	por !p2, p0  }
0x20: {  	[sflag:s8] =	ssyncset.s32 @!p0 $0xFFFFF086;
	s6 =	sadd.s32 @!p0 s3, s7;
	s7 =	simm.s32 @!p0 $0x108  }
0x21: {  	s3 =	sadd.s32 s3, s9;
	s6 =	sadd.s32 @!p0 $0x88, s6;
	s7 =	simm.s32 @p2 $0x1082  }
0x22: {  	[simem:s7], [sflag:s8] =	dma.local @!p0 [hbm:s6], $0xF7A  }
0x23: {  	s9 =	sor.u32 $0xD0000000, s2;
	s6 =	simm.s32 $0x108;
	_ =	swait.ge @!p0 [sflag:s8], $0x0  }
0x24: {  	s3 =	sadd.s32 $0x88, s3;
	s6 =	simm.s32 @!p1 $0x1082;
	[sflag:s4] =	ssyncset.s32 $0xFFFFF086  }
0x25: {  	[simem:s6], [sflag:s4] =	dma.local [hbm:s3], $0xF7A  }
0x26: {  	[smem:$0x3F93] =	sst s1;
	(tag) =	ssettag s2;
	_ =	strace s9  }
0x27: {  	s1 =	sld [smem:$0x3FA3]  }
0x28: {  	s2 =	sld [smem:$0x3FA4]  }
0x29: {  	s4 =	sld [smem:$0x3FA6]  }
0x2a: {  	p0 =	seq.s32 s5, $0x0;
	s5 =	sld [smem:$0x3FA7]  }
0x2b: {  	s6 =	sld [smem:$0x3FA8]  }
0x2c: {  	s7 =	sld [smem:$0x3FA9]  }
0x2d: {  	s3 =	simm.s32 $0x108;
	s8 =	sld [smem:$0x3FAA]  }
0x2e: {  	s3 =	simm.s32 @!p0 $0x1082;
	s9 =	sld [smem:$0x3FAB]  }
0x2f: {  	lr =	sadd.s32 s0, s3;
	s0 =	sld [smem:$0x3FA2]  }
0x30: {  	s3 =	sld [smem:$0x3FA5]  }
0x31: {  	[smem:$0x3FAE] =	sst s10  }
0x32: {  	s10 =	sld [smem:$0x3FAC];
	_ =	sdelay $0x3  }
0x33: {  	p0 =	seq.s32 s10, $0x1;
	s10 =	sld [smem:$0x3FAE];
	_ =	sdelay $0x3  }
0x34: {  	[smem:$0x3FAE] =	sst s10  }
0x35: {  	s10 =	sld [smem:$0x3FAD];
	_ =	sdelay $0x3  }
0x36: {  	p1 =	seq.s32 s10, $0x1;
	s10 =	sld [smem:$0x3FAE];
	_ =	sdelay $0x3  }
0x37: {  	[smem:$0x3FAE] =	sst s10  }
0x38: {  	s10 =	sld [smem:$0x3FAF]  }
0x39: {  	_ = 	snop;
	(pc) =	sbr.ind lr, $3  }
0x3a: {  	_ = 	snop  }
0x3b: {  	_ = 	snop  }
0x3c: {  	p2 =	seq.s32 s10, $0x1;
	s10 =	sld [smem:$0x3FAE]  }
0x3d: {  	_ =	shalt  }
0x3e: {  	_ =	shalt  }
0x3f: {  	_ =	shalt  }
0x40: {  	_ =	shalt  }
0x41: {  	_ =	shalt  }
0x42: {  	_ =	shalt  }
0x43: {  	_ =	shalt  }
0x44: {  	_ =	shalt  }
0x45: {  	_ =	shalt  }
0x46: {  	_ =	shalt  }
0x47: {  	_ =	shalt  }
0x48: {  	_ =	shalt  }
0x49: {  	_ =	shalt  }
0x4a: {  	_ =	shalt  }
0x4b: {  	_ =	shalt  }
0x4c: {  	_ =	shalt  }
0x4d: {  	_ =	shalt  }
0x4e: {  	_ =	shalt  }
0x4f: {  	_ =	shalt  }
0x50: {  	_ =	shalt  }
0x51: {  	_ =	shalt  }
0x52: {  	_ =	shalt  }
0x53: {  	_ =	shalt  }
0x54: {  	_ =	shalt  }
0x55: {  	_ =	shalt  }
0x56: {  	_ =	shalt  }
0x57: {  	_ =	shalt  }
0x58: {  	_ =	shalt  }
0x59: {  	_ =	shalt  }
0x5a: {  	_ =	shalt  }
0x5b: {  	_ =	shalt  }
0x5c: {  	_ =	shalt  }
0x5d: {  	_ =	shalt  }
0x5e: {  	_ =	shalt  }
0x5f: {  	_ =	shalt  }
0x60: {  	_ =	shalt  }
0x61: {  	_ =	shalt  }
0x62: {  	_ =	shalt  }
0x63: {  	_ =	shalt  }
0x64: {  	_ =	shalt  }
0x65: {  	_ =	shalt  }
0x66: {  	_ =	shalt  }
0x67: {  	_ =	shalt  }
0x68: {  	_ =	shalt  }
0x69: {  	_ =	shalt  }
0x6a: {  	_ =	shalt  }
0x6b: {  	_ =	shalt  }
0x6c: {  	_ =	shalt  }
0x6d: {  	_ =	shalt  }
0x6e: {  	_ =	shalt  }
0x6f: {  	_ =	shalt  }
0x70: {  	_ =	shalt  }
0x71: {  	_ =	shalt  }
0x72: {  	_ =	shalt  }
0x73: {  	_ =	shalt  }
0x74: {  	_ =	shalt  }
0x75: {  	_ =	shalt  }
0x76: {  	_ =	shalt  }
0x77: {  	_ =	shalt  }
0x78: {  	_ =	shalt  }
0x79: {  	_ =	shalt  }
0x7a: {  	_ =	shalt  }
0x7b: {  	_ =	shalt  }
0x7c: {  	_ =	shalt  }
0x7d: {  	_ =	shalt  }
0x7e: {  	_ =	shalt  }
0x7f: {  	_ =	shalt  }
0x80: {  	_ =	shalt  }
0x81: {  	_ =	shalt  }
0x82: {  	_ =	shalt  }
0x83: {  	_ =	shalt  }
0x84: {  	_ =	shalt  }
0x85: {  	_ =	shalt  }
0x86: {  	_ =	shalt  }
0x87: {  	_ =	shalt  }
.Lfunc_end0:
.L_simem_size_0:
called_computation.1_lowered:
.L_overlay_start_0:
0x88: {  	s2 =	sld [smem:$0x3FD9]  }
0x89: {  	s3 =	sld [smem:$0x3FFE];
	_ =	sdelay $0x1  }
0x8a: {  	s1 =	srdreg.scid  }
0x8b: {  	s0 =	sand.u32 $0x1, s1  }
0x8c: {  	s16 =	sshll.u32 s0, $0xA;
	s2 =	sadd.s32 s3, s2  }
0x8d: {  	s2 =	sadd.s32 s2, s16  }
0x8e: {  	[smem:$0x3FBA] =	sst s2  }
0x8f: {  	_ = 	snop  }
0x90: {  	(tm) =	ssettm $0x1  }
0x91: {  	s17 =	sld [smem:$0x3FFB];
	_ =	sdelay $0x3  }
0x92: {  	_ =	strace s17  }
0x93: {  	s2 =	sld [smem:$0x3FFC];
	_ =	sdelay $0x3  }
0x94: {  	_ =	strace s2  }
0x95: {  	s2 =	sld [smem:$0x3FFD];
	_ =	sdelay $0x3  }
0x96: {  	_ =	strace s2  }
0x97: {  	_ =	strace $0x8FFFFFFF  }
0x98: {  	s18 =	sld [smem:$0x3FDB];
	_ =	sdelay $0x1  }
0x99: {  	s19 =	simm.s32 $_scs_section_size  }
0x9a: {  	s4 =	simm.s32 $_size__tile_overlayer_lowered;
	s5 =	simm.s32 $_tile_overlayer_lowered  }
0x9b: {  	s22 =	simm.s32 $0x1BFF;
	s21 =	sshll.u32 s5, $0x1;
	s2 =	sadd.s32 s19, s18  }
0x9c: {  	s6 =	simm.s32 $0x0;
	s20 =	sshll.u32 s4, $0x1;
	s4 =	sadd.s32 s21, s2  }
0x9d: {  	[timem:s6], [sflag:s22] =	dma.local [hbm:s4], s20  }
0x9e: {  	_ =	swait.ge [sflag:s22], s20  }
0x9f: {  	s3 =	ssub.s32 $0x0, s20;
	[sflag:s22] =	ssyncset.done $0x0  }
0xa0: {  	[sflag:s22] =	ssyncadd.s32 s3;
	_ =	sdelay $0x1  }
0xa1: {  	s23 =	simm.s32 $0x1B8B  }
0xa2: {  	_ =	swait.ge [sflag:s23], $0x1  }
0xa3: {  	[sflag:s23] =	ssyncset.done $0x0  }
0xa4: {  	s25 =	simm.s32 $0x1B8E;
	s24 =	sld [smem:$0x3FFE];
	[sflag:s23] =	ssyncadd.s32 $0xFFFFFFFF  }
0xa5: {  	s26 =	simm.s32 $execute0_lowered;
	[smem:$0x3FD2] =	sst s25  }
0xa6: {  	s4 =	sshll.u32 s26, $0x1;
	_ =	strace $0x80000049;
	[dreg:$0x1] =	wrdreg $0xFFFFFFFF  }
0xa7: {  	s28 =	simm.s32 $_size_execute0_lowered;
	s2 =	sadd.s32 s2, s4;
	[dreg:$0x0] =	wrdreg $0x0  }
0xa8: {  	s4 =	sshll.u32 s28, $0x1;
	[dreg:$0x2] =	wrdreg s2  }
0xa9: {  	[dreg:$0x3] =	wrdreg s4  }
0xaa: {  	[dreg:$0x4] =	wrdreg $0xC0  }
0xab: {  	_ =	task [dreg:s6], $0x5FFFF  }
0xac: {  	[dreg:$0x1] =	wrdreg $0xFFFFFFFF  }
0xad: {  	[dreg:$0x0] =	wrdreg $0x60  }
0xae: {  	[dreg:$0x2] =	wrdreg s24  }
0xaf: {  	[dreg:$0x3] =	wrdreg $0x90000  }
0xb0: {  	[dreg:$0x4] =	wrdreg $0x9  }
0xb1: {  	_ =	task.clear_ibuf [dreg:s6], $0x5FFFF;
	_ =	strace $0x90000049  }
0xb2: {  	s29 =	simm.s32 $0x9;
	_ =	strace $0x8000004B  }
0xb3: {  	_ =	swait.ge [sflag:s29], $0x1  }
0xb4: {  	[sflag:s29] =	ssyncadd.s32 $0xFFFFFFFF  }
0xb5: {  	_ =	strace $0x9000004B  }
0xb6: {  	_ =	sfence  }
0xb7: {  	s30 =	sld [smem:$0x0];
	_ =	sdelay $0x2  }
0xb8: {  	s31 =	sshll.u32 s1, $0xD;
	s1 =	sshrl.u32 s1, $0x2  }
0xb9: {  	s3 =	sand.u32 $0x4000, s31;
	s1 =	sadd.s32 s1, s30  }
0xba: {  	s0 =	sor.u32 s3, s0;
	s1 =	sshll.u32 s1, $0x11  }
0xbb: {  	s0 =	sor.u32 s1, s0  }
0xbc: {  	s0 =	sadd.s32 $0x8F2B, s0  }
0xbd: {  	[sflag:s0] =	ssyncadd.remote.s32 $0x1  }
0xbe: {  	_ =	sfence.sel $0xFFFF  }
0xbf: {  	[dreg:$0x0] =	wrdreg $0xFFFFFFFF;
	(pc) =	sbr.abs _section_cstart, $3  }
0xc0: {  	[dreg:$0x1] =	wrdreg $0xFFFFFFFF  }
0xc1: {  	_ =	task.clear_ibuf [dreg:s6], $0x2FFFF;
	_ =	strace $0x9FFFFFFF  }
0xc2: {  	(tm) =	ssettm $0x7FFFFFFF  }
0xc3: {  	_ =	shalt  }
tec
execute0_lowered:
.L_overlay_start_1:
0x0: {  	(tag) =	ssettag $0x1  }
0x1: {  	s1 =	srdreg.scid;
	s6 =	rddreg [dreg:$0x0]  }
0x2: {  	s0 =	stileid.u32;
	s2 =	rddreg [dreg:$0x1];
	s3 =	simm.s32 $0x0  }
0x3: {  	s14 =	simm.s32 $0x5000;
	s15 =	simm.s32 $0x2;
	s16 =	simm.s32 $0x2800  }
0x4: {  	s17 =	simm.s32 $0x80;
	s18 =	simm.s32 $0x1;
	s5 =	sand.u32 $0x1, s1  }
0x5: {  	s26 =	sshll.u32 s0, $0x1;
	s9 =	smul.u32 $0x14000, s0;
	[smem:$0x7FF] =	sst s3  }
0x6: {  	s10 =	smul.u32 $0x50000, s0;
	s4 =	sadd.s32 $0xD400, s6;
	s19 =	sshll.u32 s0, $0x6  }
0x7: {  	s1 =	sor.u32 s5, s26;
	s8 =	smul.u32 $0x140000, s5;
	s29 =	ssub.s32 $0x2, s5  }
0x8: {  	s19 =	sor.u32 $0x1C02, s19;
	s7 =	smul.u32 $0x500, s1;
	s1 =	rddreg [dreg:$0x2]  }
0x9: {  	_ =	strace $0x8000004A;
	s30 =	sshrl.u32 s10, $0x2;
	s31 =	sshrl.u32 s29, $0x1  }
0xa: {  	s28 =	sadd.s32 s9, s8;
	s5 =	sadd.s32 s30, s2;
	s13 =	ssub.s32 s29, s31  }
0xb: {  	s11 =	sadd.s32 s7, s6;
	s7 =	sshrl.u32 s28, $0x3;
	s8 =	sadd.s32 $0xC000, s5  }
0xc: {  	s9 =	sadd.s32 $0x10000, s5;
	s13 =	smax.u32 s13, $0x1;
	s20 =	sshrl.u32 s5, $0x3  }
0xd: {  	s12 =	sadd.s32 s7, s6;
	s6 =	sadd.s32 $0x4000, s5;
	s7 =	sadd.s32 $0x8000, s5  }
0xe: {  	v0 =	vimm.f32 $0.0e+00;
	s10 =	sadd.s32 $0x8E600, s11;
	s11 =	sadd.s32 $0x84600, s11;
	s12 =	sadd.s32 $0x98600, s12  }
.LBB2_1:
0xf: {  	s21 =	simm.s32 $0x0;
	s22 =	simm.s32 $0x200  }
.LBB2_2:
0x10: {  	p0 =	sne.s32 s22, $0xFE00;
	[tilespmem:s21+$0x5070] =	vst v0  }
0x11: {  	[tilespmem:s21+$0x5000] =	vst v0  }
0x12: {  	[tilespmem:s21+$0x5010] =	vst v0  }
.Ltmp0:
0x13: {  	[tilespmem:s21+$0x5020] =	vst v0;
	(pc) =	sbr.rel @p0 .LBB2_2-.Ltmp0, $4  }
0x14: {  	[tilespmem:s21+$0x5030] =	vst v0  }
0x15: {  	[tilespmem:s21+$0x5040] =	vst v0  }
0x16: {  	[tilespmem:s21+$0x5050] =	vst v0  }
0x17: {  	[tilespmem:s21+$0x5060] =	vst v0;
	s21 =	sshra.s32 s22, $0x2;
	s22 =	sadd.s32 $0x200, s22  }
0x18: {  	[tilespmem:s21+$0x5070] =	vst v0  }
0x19: {  	[tilespmem:s21+$0x5000] =	vst v0  }
0x1a: {  	[tilespmem:s21+$0x5010] =	vst v0  }
0x1b: {  	[tilespmem:s21+$0x5020] =	vst v0  }
0x1c: {  	[tilespmem:s21+$0x5030] =	vst v0  }
0x1d: {  	[tilespmem:s21+$0x5040] =	vst v0  }
0x1e: {  	[tilespmem:s21+$0x5050] =	vst v0  }
0x1f: {  	[tilespmem:s21+$0x5060] =	vst v0  }
0x20: {  	[spmem:s5] =	stream.linear.scatter [tilespmem:s14], [sflag:$0x2], $0x4000, $0x38;
	[tilespmem:$0x1D000] =	vst v63  }
0x21: {  	_ =	swait.ge [sflag:s15], $0x4000  }
0x22: {  	[sflag:s15] =	ssyncset.done $0x0  }
0x23: {  	[sflag:s15] =	ssyncadd.s32 $0xFFFFC000  }
0x24: {  	[spmem:s6] =	stream.linear.scatter [tilespmem:s14], [sflag:$0x2], $0x4000, $0x38;
	[tilespmem:$0x1D000] =	vst v63  }
0x25: {  	_ =	swait.ge [sflag:s15], $0x4000  }
0x26: {  	[sflag:s15] =	ssyncset.done $0x0  }
0x27: {  	[sflag:s15] =	ssyncadd.s32 $0xFFFFC000  }
0x28: {  	[spmem:s7] =	stream.linear.scatter [tilespmem:s14], [sflag:$0x2], $0x4000, $0x38;
	[tilespmem:$0x1D000] =	vst v63  }
0x29: {  	_ =	swait.ge [sflag:s15], $0x4000  }
0x2a: {  	[sflag:s15] =	ssyncset.done $0x0  }
0x2b: {  	[sflag:s15] =	ssyncadd.s32 $0xFFFFC000  }
0x2c: {  	[spmem:s8] =	stream.linear.scatter [tilespmem:s14], [sflag:$0x2], $0x4000, $0x38;
	[tilespmem:$0x1D000] =	vst v63  }
0x2d: {  	_ =	swait.ge [sflag:s15], $0x4000  }
0x2e: {  	[sflag:s15] =	ssyncset.done $0x0  }
0x2f: {  	[sflag:s15] =	ssyncadd.s32 $0xFFFFC000  }
0x30: {  	[spmem:s9] =	stream.linear.scatter [tilespmem:s14], [sflag:$0x2], $0x4000, $0x38;
	[tilespmem:$0x1D000] =	vst v63  }
0x31: {  	_ =	swait.ge [sflag:s15], $0x4000  }
0x32: {  	[sflag:s15] =	ssyncset.done $0x0  }
0x33: {  	[sflag:s15] =	ssyncadd.s32 $0xFFFFC000  }
0x34: {  	s29 =	simm.s32 $0x0;
	[bflag:$0x0] =	sbarrier.arrive $0xFFFF  }
0x35: {  	[tilespmem:s29], [sflag:$0x2] =	stream.linear.gather [hbm4b:s10+s29], $0x2780, $0x38;
	[tilespmem:$0x1D000] =	vst v63  }
0x36: {  	_ =	swait.ge [sflag:s15], $0x2780  }
0x37: {  	[sflag:s15] =	ssyncset.done $0x0  }
0x38: {  	[sflag:s15] =	ssyncadd.s32 $0xFFFFD880  }
0x39: {  	[tilespmem:s16], [sflag:$0x2] =	stream.linear.gather [hbm4b:s11+s29], $0x2780, $0x38;
	[tilespmem:$0x1D000] =	vst v63  }
0x3a: {  	_ =	swait.ge [sflag:s15], $0x2780  }
0x3b: {  	[sflag:s15] =	ssyncset.done $0x0  }
0x3c: {  	s30 =	simm.s32 $0x0;
	[sflag:s15] =	ssyncadd.s32 $0xFFFFD880  }
0x3d: {  	[tilespmem:s14], [sflag:$0x1] =	stream.indirect.gather [hbm4b:s4+s17], $0x80, s30, s17, $0xb8;
	[tilespmem:$0x1D000] =	vst v63  }
0x3e: {  	_ =	swait.ge [sflag:s18], $0x4000  }
0x3f: {  	[sflag:s18] =	ssyncset.done $0x0  }
0x40: {  	s31 =	simm.s32 $0x2800;
	[sflag:s18] =	ssyncadd.s32 $0xFFFFC000  }
0x41: {  	[spmem:s2] =	stream.indirect.scatter.add.f32 [tilespmem:s14], [sflag:$0x2], $0x80, s31, s17, $0xb8;
	[tilespmem:$0x1D000] =	vst v63  }
0x42: {  	_ =	swait.ge [sflag:s15], $0x4000  }
0x43: {  	s21 =	simm.s32 $0x200;
	s22 =	simm.s32 $0x400;
	[sflag:s15] =	ssyncset.done $0x0  }
.LBB2_4:
0x44: {  	s23 =	sshra.s32 s21, $0x2  }
0x45: {  	[sflag:s15] =	ssyncadd.s32 $0xFFFFC000;
	s21 =	smov.u32 s22;
	s24 =	sadd.s32 $0x200, s22  }
0x46: {  	[tilespmem:s14], [sflag:$0x1] =	stream.indirect.gather [hbm4b:s4+s17], $0x80, s23, s17, $0xb8;
	[tilespmem:$0x1D000] =	vst v63  }
0x47: {  	p0 =	sne.s32 s22, $0x9C00;
	_ =	swait.ge [sflag:s18], $0x4000  }
.Ltmp1:
0x48: {  	[sflag:s18] =	ssyncset.done $0x0;
	(pc) =	sbr.rel @p0 .LBB2_4-.Ltmp1, $4  }
0x49: {  	s22 =	sadd.s32 $0x2800, s23;
	[sflag:s18] =	ssyncadd.s32 $0xFFFFC000  }
0x4a: {  	[spmem:s2] =	stream.indirect.scatter.add.f32 [tilespmem:s14], [sflag:$0x2], $0x80, s22, s17, $0xb8;
	[tilespmem:$0x1D000] =	vst v63  }
0x4b: {  	_ =	swait.ge [sflag:s15], $0x4000  }
0x4c: {  	s22 =	smov.u32 s24;
	[sflag:s15] =	ssyncset.done $0x0  }
0x4d: {  	s21 =	sshra.s32 s21, $0x2;
	[sflag:s15] =	ssyncadd.s32 $0xFFFFC000  }
0x4e: {  	[tilespmem:s14], [sflag:$0x1] =	stream.indirect.gather [hbm4b:s4+s17], $0x80, s21, s17, $0xb8;
	[tilespmem:$0x1D000] =	vst v63  }
0x4f: {  	_ =	swait.ge [sflag:s18], $0x4000  }
0x50: {  	[sflag:s18] =	ssyncset.done $0x0  }
0x51: {  	s21 =	sadd.s32 $0x2800, s21;
	[sflag:s18] =	ssyncadd.s32 $0xFFFFC000  }
0x52: {  	[spmem:s2] =	stream.indirect.scatter.add.f32 [tilespmem:s14], [sflag:$0x2], $0x80, s21, s17, $0xb8;
	[tilespmem:$0x1D000] =	vst v63  }
0x53: {  	_ =	swait.ge [sflag:s15], $0x4000  }
0x54: {  	s3 =	sadd.s32 $0x1, s3;
	[sflag:s15] =	ssyncset.done $0x0  }
0x55: {  	p0 =	sne.s32 s3, s13;
	[sflag:s15] =	ssyncadd.s32 $0xFFFFC000  }
.Ltmp2:
0x56: {  	[bflag:$0x0] =	sbarrier.arrive $0xFFFF;
	(pc) =	sbr.rel @p0 .LBB2_1-.Ltmp2, $4  }
0x57: {  	[hbm:s12], [sflag:s19] =	dma.local [spmem:s20], $0x2800  }
0x58: {  	_ =	swait.ge [sflag:s15], $0x2800  }
0x59: {  	[sflag:s15] =	ssyncset.done $0x0  }
0x5a: {  	[sflag:s15] =	ssyncadd.s32 $0xFFFFD800  }
0x5b: {  	_ =	sfence.sel $0x180000  }
0x5c: {  	[bflag:$0x0] =	sbarrier.arrive $0xFFFF  }
0x5d: {  	p0 =	sne.s32 s0, $0x0;
	_ =	strace $0x9000004A  }
0x5e: {  	s0 =	sadd.s32 @!p0 $0x100000, s1;
	[bflag:$0x2] =	sbarrier.arrive $0xFFFF  }
0x5f: {  	[sflag:s0] =	ssyncadd.tile.s32 @!p0 $0x1;
	_ =	shalt  }
.Lfunc_end2:
_tile_overlayer_lowered:
.L_overlay_start_2:
0x60: {  	(tag) =	ssettag $0x2  }
0x61: {  	s0 =	rddreg [dreg:$0x0];
	s2 =	stileid.u32  }
0x62: {  	s1 =	rddreg [dreg:$0x1];
	p0 =	sne.s32 s2, $0x0  }
0x63: {  	s3 =	rddreg [dreg:$0x2];
	[bflag:$0x3] =	sbarrier.arrive $0xFFFF;
	s2 =	simm.s32 @!p0 $0x1C02  }
0x64: {  	[timem:s3], [sflag:s2] =	dma.local @!p0 [hbm:s0], s1  }
0x65: {  	s0 =	simm.s32 @!p0 $0x2  }
0x66: {  	_ =	swait.ge @!p0 [sflag:s0], s1  }
0x67: {  	s1 =	ssub.s32 @!p0 $0x0, s1;
	[sflag:s0] =	ssyncset.done @!p0 $0x0  }
0x68: {  	[sflag:s0] =	ssyncadd.s32 @!p0 s1  }
0x69: {  	[bflag:$0x3] =	sbarrier.arrive $0xFFFF  }
0x6a: {  	_ =	shalt  }

// kernel: kernel.17.cloned.1.call-start
scs
__scs_entry_jumppad:
0x0: {  	(pc) =	sbr.rel $0x88, $3  }
0x1: {  	(tag) =	ssettag $0x0;
	lr =	simm.s32 $0x1  }
0x2: {  	[smem:$0x3F93] =	sst lr;
	_ =	strace $0xD0000000  }
0x3: {  	_ = 	snop  }
0x4: {  	_ = 	snop  }
0x5: {  	_ = 	snop  }
0x6: {  	_ = 	snop  }
0x7: {  	_ = 	snop  }
__scs_overlays_trampoline_lowered:
0x8: {  	[smem:$0x3FA2] =	sst s0  }
0x9: {  	[smem:$0x3FA3] =	sst s1  }
0xa: {  	[smem:$0x3FA4] =	sst s2  }
0xb: {  	[smem:$0x3FA5] =	sst s3  }
0xc: {  	[smem:$0x3FA6] =	sst s4  }
0xd: {  	[smem:$0x3FA7] =	sst s5  }
0xe: {  	[smem:$0x3FA8] =	sst s6  }
0xf: {  	[smem:$0x3FA9] =	sst s7  }
0x10: {  	[smem:$0x3FAA] =	sst s8  }
0x11: {  	[smem:$0x3FAB] =	sst s9;
	s0 =	simm.s32 @!p0 $0x0  }
0x12: {  	s1 =	sld [smem:$0x3F91];
	s0 =	simm.s32 @p0 $0x1  }
0x13: {  	[smem:$0x3FAC] =	sst s0;
	s0 =	simm.s32 @!p1 $0x0  }
0x14: {  	s2 =	sld [smem:$0x3F90];
	s0 =	simm.s32 @p1 $0x1  }
0x15: {  	[smem:$0x3FAD] =	sst s0;
	s0 =	simm.s32 @!p2 $0x0  }
0x16: {  	s3 =	sld [smem:$0x3FDB];
	s0 =	simm.s32 @p2 $0x1  }
0x17: {  	s4 =	simm.s32 $0x1BF5;
	[smem:$0x3FAF] =	sst s0  }
0x18: {  	s0 =	sld [smem:$0x3F92];
	_ =	swait.ge [sflag:s4], $0x0  }
0x19: {  	s7 =	sld [smem:$0x3F93]  }
0x1a: {  	s8 =	sadd.s32 $0xFFFFE003, lr  }
0x1b: {  	s9 =	sadd.s32 $0xFFFFFEF7, lr;
	s5 =	simm.s32 $0xFFFFFFFF;
	p2 =	slt.u32 s8, $0xFFFFF086  }
0x1c: {  	p1 =	slt.u32 s9, $0xF7A;
	s5 =	simm.s32 @!p2 $0x0  }
0x1d: {  	s5 =	simm.s32 @p1 $0x1;
	p0 =	seq.s32 s7, s2  }
0x1e: {  	s7 =	smul.u32 @!p0 $0xF7A, s2;
	p2 =	seq.s32 @!p0 s5, $0x0  }
0x1f: {  	s9 =	smul.u32 $0xF7A, s1;
	s8 =	simm.s32 @!p0 $0x1BF5;
	p2 =	por !p2, p0  }
0x20: {  	[sflag:s8] =	ssyncset.s32 @!p0 $0xFFFFF086;
	s6 =	sadd.s32 @!p0 s3, s7;
	s7 =	simm.s32 @!p0 $0x108  }
0x21: {  	s3 =	sadd.s32 s3, s9;
	s6 =	sadd.s32 @!p0 $0x88, s6;
	s7 =	simm.s32 @p2 $0x1082  }
0x22: {  	[simem:s7], [sflag:s8] =	dma.local @!p0 [hbm:s6], $0xF7A  }
0x23: {  	s9 =	sor.u32 $0xD0000000, s2;
	s6 =	simm.s32 $0x108;
	_ =	swait.ge @!p0 [sflag:s8], $0x0  }
0x24: {  	s3 =	sadd.s32 $0x88, s3;
	s6 =	simm.s32 @!p1 $0x1082;
	[sflag:s4] =	ssyncset.s32 $0xFFFFF086  }
0x25: {  	[simem:s6], [sflag:s4] =	dma.local [hbm:s3], $0xF7A  }
0x26: {  	[smem:$0x3F93] =	sst s1;
	(tag) =	ssettag s2;
	_ =	strace s9  }
0x27: {  	s1 =	sld [smem:$0x3FA3]  }
0x28: {  	s2 =	sld [smem:$0x3FA4]  }
0x29: {  	s4 =	sld [smem:$0x3FA6]  }
0x2a: {  	p0 =	seq.s32 s5, $0x0;
	s5 =	sld [smem:$0x3FA7]  }
0x2b: {  	s6 =	sld [smem:$0x3FA8]  }
0x2c: {  	s7 =	sld [smem:$0x3FA9]  }
0x2d: {  	s3 =	simm.s32 $0x108;
	s8 =	sld [smem:$0x3FAA]  }
0x2e: {  	s3 =	simm.s32 @!p0 $0x1082;
	s9 =	sld [smem:$0x3FAB]  }
0x2f: {  	lr =	sadd.s32 s0, s3;
	s0 =	sld [smem:$0x3FA2]  }
0x30: {  	s3 =	sld [smem:$0x3FA5]  }
0x31: {  	[smem:$0x3FAE] =	sst s10  }
0x32: {  	s10 =	sld [smem:$0x3FAC];
	_ =	sdelay $0x3  }
0x33: {  	p0 =	seq.s32 s10, $0x1;
	s10 =	sld [smem:$0x3FAE];
	_ =	sdelay $0x3  }
0x34: {  	[smem:$0x3FAE] =	sst s10  }
0x35: {  	s10 =	sld [smem:$0x3FAD];
	_ =	sdelay $0x3  }
0x36: {  	p1 =	seq.s32 s10, $0x1;
	s10 =	sld [smem:$0x3FAE];
	_ =	sdelay $0x3  }
0x37: {  	[smem:$0x3FAE] =	sst s10  }
0x38: {  	s10 =	sld [smem:$0x3FAF]  }
0x39: {  	_ = 	snop;
	(pc) =	sbr.ind lr, $3  }
0x3a: {  	_ = 	snop  }
0x3b: {  	_ = 	snop  }
0x3c: {  	p2 =	seq.s32 s10, $0x1;
	s10 =	sld [smem:$0x3FAE]  }
0x3d: {  	_ =	shalt  }
0x3e: {  	_ =	shalt  }
0x3f: {  	_ =	shalt  }
0x40: {  	_ =	shalt  }
0x41: {  	_ =	shalt  }
0x42: {  	_ =	shalt  }
0x43: {  	_ =	shalt  }
0x44: {  	_ =	shalt  }
0x45: {  	_ =	shalt  }
0x46: {  	_ =	shalt  }
0x47: {  	_ =	shalt  }
0x48: {  	_ =	shalt  }
0x49: {  	_ =	shalt  }
0x4a: {  	_ =	shalt  }
0x4b: {  	_ =	shalt  }
0x4c: {  	_ =	shalt  }
0x4d: {  	_ =	shalt  }
0x4e: {  	_ =	shalt  }
0x4f: {  	_ =	shalt  }
0x50: {  	_ =	shalt  }
0x51: {  	_ =	shalt  }
0x52: {  	_ =	shalt  }
0x53: {  	_ =	shalt  }
0x54: {  	_ =	shalt  }
0x55: {  	_ =	shalt  }
0x56: {  	_ =	shalt  }
0x57: {  	_ =	shalt  }
0x58: {  	_ =	shalt  }
0x59: {  	_ =	shalt  }
0x5a: {  	_ =	shalt  }
0x5b: {  	_ =	shalt  }
0x5c: {  	_ =	shalt  }
0x5d: {  	_ =	shalt  }
0x5e: {  	_ =	shalt  }
0x5f: {  	_ =	shalt  }
0x60: {  	_ =	shalt  }
0x61: {  	_ =	shalt  }
0x62: {  	_ =	shalt  }
0x63: {  	_ =	shalt  }
0x64: {  	_ =	shalt  }
0x65: {  	_ =	shalt  }
0x66: {  	_ =	shalt  }
0x67: {  	_ =	shalt  }
0x68: {  	_ =	shalt  }
0x69: {  	_ =	shalt  }
0x6a: {  	_ =	shalt  }
0x6b: {  	_ =	shalt  }
0x6c: {  	_ =	shalt  }
0x6d: {  	_ =	shalt  }
0x6e: {  	_ =	shalt  }
0x6f: {  	_ =	shalt  }
0x70: {  	_ =	shalt  }
0x71: {  	_ =	shalt  }
0x72: {  	_ =	shalt  }
0x73: {  	_ =	shalt  }
0x74: {  	_ =	shalt  }
0x75: {  	_ =	shalt  }
0x76: {  	_ =	shalt  }
0x77: {  	_ =	shalt  }
0x78: {  	_ =	shalt  }
0x79: {  	_ =	shalt  }
0x7a: {  	_ =	shalt  }
0x7b: {  	_ =	shalt  }
0x7c: {  	_ =	shalt  }
0x7d: {  	_ =	shalt  }
0x7e: {  	_ =	shalt  }
0x7f: {  	_ =	shalt  }
0x80: {  	_ =	shalt  }
0x81: {  	_ =	shalt  }
0x82: {  	_ =	shalt  }
0x83: {  	_ =	shalt  }
0x84: {  	_ =	shalt  }
0x85: {  	_ =	shalt  }
0x86: {  	_ =	shalt  }
0x87: {  	_ =	shalt  }
.Lfunc_end0:
.L_simem_size_0:
called_computation.2_lowered:
.L_overlay_start_0:
0x88: {  	s2 =	sld [smem:$0x3FD9]  }
0x89: {  	s3 =	sld [smem:$0x3FFE];
	_ =	sdelay $0x1  }
0x8a: {  	s1 =	srdreg.scid  }
0x8b: {  	s0 =	sand.u32 $0x1, s1  }
0x8c: {  	s17 =	sshll.u32 s0, $0xA;
	s2 =	sadd.s32 s3, s2  }
0x8d: {  	s2 =	sadd.s32 s2, s17  }
0x8e: {  	[smem:$0x3FBA] =	sst s2  }
0x8f: {  	_ = 	snop  }
0x90: {  	s2 =	sld [smem:$0x3FD0];
	(tm) =	ssettm $0x1  }
0x91: {  	s18 =	sld [smem:$0x3FFB];
	_ =	sdelay $0x3  }
0x92: {  	_ =	strace s18  }
0x93: {  	s3 =	sld [smem:$0x3FFC];
	_ =	sdelay $0x3  }
0x94: {  	_ =	strace s3  }
0x95: {  	s3 =	sld [smem:$0x3FFD];
	_ =	sdelay $0x3  }
0x96: {  	_ =	strace s3  }
0x97: {  	_ =	strace $0x8FFFFFFF  }
0x98: {  	s19 =	sld [smem:$0x3FDB];
	_ =	sdelay $0x1  }
0x99: {  	s4 =	simm.s32 $_scs_section_size  }
0x9a: {  	s5 =	simm.s32 $_size__tile_overlayer_lowered;
	s6 =	simm.s32 $_tile_overlayer_lowered  }
0x9b: {  	s22 =	simm.s32 $0x1BFF;
	s21 =	sshll.u32 s6, $0x1;
	s3 =	sadd.s32 s4, s19  }
0x9c: {  	s7 =	simm.s32 $0x0;
	s20 =	sshll.u32 s5, $0x1;
	s5 =	sadd.s32 s21, s3  }
0x9d: {  	[timem:s7], [sflag:s22] =	dma.local [hbm:s5], s20  }
0x9e: {  	_ =	swait.ge [sflag:s22], s20  }
0x9f: {  	s4 =	ssub.s32 $0x0, s20;
	[sflag:s22] =	ssyncset.done $0x0  }
0xa0: {  	[sflag:s22] =	ssyncadd.s32 s4;
	_ =	sdelay $0x1  }
0xa1: {  	s23 =	simm.s32 $0x1B8B  }
0xa2: {  	_ =	swait.ge [sflag:s23], $0x1  }
0xa3: {  	[sflag:s23] =	ssyncset.done $0x0  }
0xa4: {  	s25 =	simm.s32 $0x1B8E;
	s24 =	sld [smem:$0x3FFE];
	[sflag:s23] =	ssyncadd.s32 $0xFFFFFFFF  }
0xa5: {  	s26 =	simm.s32 $execute0_lowered;
	[smem:$0x3FD2] =	sst s25  }
0xa6: {  	s5 =	sshll.u32 s26, $0x1;
	_ =	strace $0x8000004C;
	[dreg:$0x1] =	wrdreg $0xFFFFFFFF  }
0xa7: {  	s28 =	simm.s32 $_size_execute0_lowered;
	s3 =	sadd.s32 s3, s5;
	[dreg:$0x0] =	wrdreg $0x0  }
0xa8: {  	s5 =	sshll.u32 s28, $0x1;
	[dreg:$0x2] =	wrdreg s3  }
0xa9: {  	[dreg:$0x3] =	wrdreg s5  }
0xaa: {  	[dreg:$0x4] =	wrdreg $0xC0  }
0xab: {  	_ =	task [dreg:s7], $0x5FFFF  }
0xac: {  	[dreg:$0x1] =	wrdreg $0xFFFFFFFF  }
0xad: {  	[dreg:$0x0] =	wrdreg $0x60  }
0xae: {  	[dreg:$0x2] =	wrdreg s24  }
0xaf: {  	[dreg:$0x3] =	wrdreg s2  }
0xb0: {  	[dreg:$0x4] =	wrdreg $0x90000  }
0xb1: {  	[dreg:$0x5] =	wrdreg $0x9  }
0xb2: {  	_ =	task.clear_ibuf [dreg:s7], $0x6FFFF;
	_ =	strace $0x9000004C  }
0xb3: {  	s29 =	simm.s32 $0x9;
	_ =	strace $0x8000004E  }
0xb4: {  	_ =	swait.ge [sflag:s29], $0x1  }
0xb5: {  	[sflag:s29] =	ssyncadd.s32 $0xFFFFFFFF  }
0xb6: {  	_ =	strace $0x9000004E  }
0xb7: {  	_ =	sfence  }
0xb8: {  	s30 =	sld [smem:$0x0];
	_ =	sdelay $0x2  }
0xb9: {  	s31 =	sshll.u32 s1, $0xD;
	s1 =	sshrl.u32 s1, $0x2  }
0xba: {  	s3 =	sand.u32 $0x4000, s31;
	s1 =	sadd.s32 s1, s30  }
0xbb: {  	s0 =	sor.u32 s3, s0;
	s1 =	sshll.u32 s1, $0x11  }
0xbc: {  	s0 =	sor.u32 s1, s0  }
0xbd: {  	s0 =	sadd.s32 $0x8F2B, s0  }
0xbe: {  	[sflag:s0] =	ssyncadd.remote.s32 $0x1  }
0xbf: {  	_ =	sfence.sel $0xFFFF  }
0xc0: {  	[dreg:$0x0] =	wrdreg $0xFFFFFFFF;
	(pc) =	sbr.abs _section_cstart, $3  }
0xc1: {  	[dreg:$0x1] =	wrdreg $0xFFFFFFFF  }
0xc2: {  	_ =	task.clear_ibuf [dreg:s7], $0x2FFFF;
	_ =	strace $0x9FFFFFFF  }
0xc3: {  	(tm) =	ssettm $0x7FFFFFFF  }
tec
execute0_lowered:
.L_overlay_start_1:
0x0: {  	(tag) =	ssettag $0x1  }
0x1: {  	s6 =	rddreg [dreg:$0x0]  }
0x2: {  	s1 =	srdreg.scid;
	s10 =	rddreg [dreg:$0x1]  }
0x3: {  	s0 =	stileid.u32;
	s2 =	rddreg [dreg:$0x2];
	s3 =	simm.s32 $0x0  }
0x4: {  	s15 =	simm.s32 $0x2;
	s16 =	simm.s32 $0x2800;
	s17 =	simm.s32 $0x80  }
0x5: {  	s18 =	simm.s32 $0x1;
	s5 =	sand.u32 $0x1, s1;
	s8 =	smul.u32 $0x14000, s0  }
0x6: {  	s28 =	sshll.u32 s0, $0x1;
	[smem:$0x7FF] =	sst s3;
	s9 =	smul.u32 $0x50000, s0  }
0x7: {  	s4 =	sadd.s32 $0xD400, s6;
	s19 =	sshll.u32 s0, $0x6;
	s1 =	sor.u32 s5, s28  }
0x8: {  	s7 =	smul.u32 $0x140000, s5;
	s29 =	ssub.s32 $0x2, s5;
	s19 =	sor.u32 $0x1C02, s19  }
0x9: {  	s11 =	smul.u32 $0x500, s1;
	s1 =	rddreg [dreg:$0x3];
	_ =	strace $0x8000004D  }
0xa: {  	s30 =	sshrl.u32 s9, $0x2;
	s31 =	sshrl.u32 s29, $0x1;
	s7 =	sadd.s32 s8, s7  }
0xb: {  	s5 =	sadd.s32 s30, s2;
	s14 =	ssub.s32 s29, s31;
	s12 =	sadd.s32 s11, s6  }
0xc: {  	s7 =	sshrl.u32 s7, $0x3;
	s8 =	sadd.s32 $0xC000, s5;
	s9 =	sadd.s32 $0x10000, s5  }
0xd: {  	s10 =	sadd.s32 s10, s11;
	s20 =	sshrl.u32 s5, $0x3;
	s13 =	sadd.s32 s7, s6  }
0xe: {  	s6 =	sadd.s32 $0x4000, s5;
	s7 =	sadd.s32 $0x8000, s5;
	s11 =	sadd.s32 $0x3400, s12  }
0xf: {  	v0 =	vimm.f32 $0.0e+00;
	s12 =	sadd.s32 $0x98600, s13;
	s13 =	smax.u32 s14, $0x1;
	s14 =	simm.s32 $0x5000  }
.LBB2_1:
0x10: {  	s21 =	simm.s32 $0x0;
	s22 =	simm.s32 $0x200  }
.LBB2_2:
0x11: {  	p0 =	sne.s32 s22, $0xFE00;
	[tilespmem:s21+$0x5070] =	vst v0  }
0x12: {  	[tilespmem:s21+$0x5000] =	vst v0  }
0x13: {  	[tilespmem:s21+$0x5010] =	vst v0  }
.Ltmp0:
0x14: {  	[tilespmem:s21+$0x5020] =	vst v0;
	(pc) =	sbr.rel @p0 .LBB2_2-.Ltmp0, $4  }
0x15: {  	[tilespmem:s21+$0x5030] =	vst v0  }
0x16: {  	[tilespmem:s21+$0x5040] =	vst v0  }
0x17: {  	[tilespmem:s21+$0x5050] =	vst v0  }
0x18: {  	[tilespmem:s21+$0x5060] =	vst v0;
	s21 =	sshra.s32 s22, $0x2;
	s22 =	sadd.s32 $0x200, s22  }
0x19: {  	[tilespmem:s21+$0x5070] =	vst v0  }
0x1a: {  	[tilespmem:s21+$0x5000] =	vst v0  }
0x1b: {  	[tilespmem:s21+$0x5010] =	vst v0  }
0x1c: {  	[tilespmem:s21+$0x5020] =	vst v0  }
0x1d: {  	[tilespmem:s21+$0x5030] =	vst v0  }
0x1e: {  	[tilespmem:s21+$0x5040] =	vst v0  }
0x1f: {  	[tilespmem:s21+$0x5050] =	vst v0  }
0x20: {  	[tilespmem:s21+$0x5060] =	vst v0  }
0x21: {  	[spmem:s5] =	stream.linear.scatter [tilespmem:s14], [sflag:$0x2], $0x4000, $0x38;
	[tilespmem:$0x1D000] =	vst v63  }
0x22: {  	_ =	swait.ge [sflag:s15], $0x4000  }
0x23: {  	[sflag:s15] =	ssyncset.done $0x0  }
0x24: {  	[sflag:s15] =	ssyncadd.s32 $0xFFFFC000  }
0x25: {  	[spmem:s6] =	stream.linear.scatter [tilespmem:s14], [sflag:$0x2], $0x4000, $0x38;
	[tilespmem:$0x1D000] =	vst v63  }
0x26: {  	_ =	swait.ge [sflag:s15], $0x4000  }
0x27: {  	[sflag:s15] =	ssyncset.done $0x0  }
0x28: {  	[sflag:s15] =	ssyncadd.s32 $0xFFFFC000  }
0x29: {  	[spmem:s7] =	stream.linear.scatter [tilespmem:s14], [sflag:$0x2], $0x4000, $0x38;
	[tilespmem:$0x1D000] =	vst v63  }
0x2a: {  	_ =	swait.ge [sflag:s15], $0x4000  }
0x2b: {  	[sflag:s15] =	ssyncset.done $0x0  }
0x2c: {  	[sflag:s15] =	ssyncadd.s32 $0xFFFFC000  }
0x2d: {  	[spmem:s8] =	stream.linear.scatter [tilespmem:s14], [sflag:$0x2], $0x4000, $0x38;
	[tilespmem:$0x1D000] =	vst v63  }
0x2e: {  	_ =	swait.ge [sflag:s15], $0x4000  }
0x2f: {  	[sflag:s15] =	ssyncset.done $0x0  }
0x30: {  	[sflag:s15] =	ssyncadd.s32 $0xFFFFC000  }
0x31: {  	[spmem:s9] =	stream.linear.scatter [tilespmem:s14], [sflag:$0x2], $0x4000, $0x38;
	[tilespmem:$0x1D000] =	vst v63  }
0x32: {  	_ =	swait.ge [sflag:s15], $0x4000  }
0x33: {  	[sflag:s15] =	ssyncset.done $0x0  }
0x34: {  	[sflag:s15] =	ssyncadd.s32 $0xFFFFC000  }
0x35: {  	s29 =	simm.s32 $0x0;
	[bflag:$0x0] =	sbarrier.arrive $0xFFFF  }
0x36: {  	[tilespmem:s29], [sflag:$0x2] =	stream.linear.gather [hbm4b:s10+s29], $0x2780, $0x38;
	[tilespmem:$0x1D000] =	vst v63  }
0x37: {  	_ =	swait.ge [sflag:s15], $0x2780  }
0x38: {  	[sflag:s15] =	ssyncset.done $0x0  }
0x39: {  	[sflag:s15] =	ssyncadd.s32 $0xFFFFD880  }
0x3a: {  	[tilespmem:s16], [sflag:$0x2] =	stream.linear.gather [hbm4b:s11+s29], $0x2780, $0x38;
	[tilespmem:$0x1D000] =	vst v63  }
0x3b: {  	_ =	swait.ge [sflag:s15], $0x2780  }
0x3c: {  	[sflag:s15] =	ssyncset.done $0x0  }
0x3d: {  	s30 =	simm.s32 $0x0;
	[sflag:s15] =	ssyncadd.s32 $0xFFFFD880  }
0x3e: {  	[tilespmem:s14], [sflag:$0x1] =	stream.indirect.gather [hbm4b:s4+s17], $0x80, s30, s17, $0xb8;
	[tilespmem:$0x1D000] =	vst v63  }
0x3f: {  	_ =	swait.ge [sflag:s18], $0x4000  }
0x40: {  	[sflag:s18] =	ssyncset.done $0x0  }
0x41: {  	s31 =	simm.s32 $0x2800;
	[sflag:s18] =	ssyncadd.s32 $0xFFFFC000  }
0x42: {  	[spmem:s2] =	stream.indirect.scatter.add.f32 [tilespmem:s14], [sflag:$0x2], $0x80, s31, s17, $0xb8;
	[tilespmem:$0x1D000] =	vst v63  }
0x43: {  	_ =	swait.ge [sflag:s15], $0x4000  }
0x44: {  	s21 =	simm.s32 $0x200;
	s22 =	simm.s32 $0x400;
	[sflag:s15] =	ssyncset.done $0x0  }
.LBB2_4:
0x45: {  	s23 =	sshra.s32 s21, $0x2  }
0x46: {  	[sflag:s15] =	ssyncadd.s32 $0xFFFFC000;
	s21 =	smov.u32 s22;
	s24 =	sadd.s32 $0x200, s22  }
0x47: {  	[tilespmem:s14], [sflag:$0x1] =	stream.indirect.gather [hbm4b:s4+s17], $0x80, s23, s17, $0xb8;
	[tilespmem:$0x1D000] =	vst v63  }
0x48: {  	p0 =	sne.s32 s22, $0x9C00;
	_ =	swait.ge [sflag:s18], $0x4000  }
.Ltmp1:
0x49: {  	[sflag:s18] =	ssyncset.done $0x0;
	(pc) =	sbr.rel @p0 .LBB2_4-.Ltmp1, $4  }
0x4a: {  	s22 =	sadd.s32 $0x2800, s23;
	[sflag:s18] =	ssyncadd.s32 $0xFFFFC000  }
0x4b: {  	[spmem:s2] =	stream.indirect.scatter.add.f32 [tilespmem:s14], [sflag:$0x2], $0x80, s22, s17, $0xb8;
	[tilespmem:$0x1D000] =	vst v63  }
0x4c: {  	_ =	swait.ge [sflag:s15], $0x4000  }
0x4d: {  	s22 =	smov.u32 s24;
	[sflag:s15] =	ssyncset.done $0x0  }
0x4e: {  	s21 =	sshra.s32 s21, $0x2;
	[sflag:s15] =	ssyncadd.s32 $0xFFFFC000  }
0x4f: {  	[tilespmem:s14], [sflag:$0x1] =	stream.indirect.gather [hbm4b:s4+s17], $0x80, s21, s17, $0xb8;
	[tilespmem:$0x1D000] =	vst v63  }
0x50: {  	_ =	swait.ge [sflag:s18], $0x4000  }
0x51: {  	[sflag:s18] =	ssyncset.done $0x0  }
0x52: {  	s21 =	sadd.s32 $0x2800, s21;
	[sflag:s18] =	ssyncadd.s32 $0xFFFFC000  }
0x53: {  	[spmem:s2] =	stream.indirect.scatter.add.f32 [tilespmem:s14], [sflag:$0x2], $0x80, s21, s17, $0xb8;
	[tilespmem:$0x1D000] =	vst v63  }
0x54: {  	_ =	swait.ge [sflag:s15], $0x4000  }
0x55: {  	s3 =	sadd.s32 $0x1, s3;
	[sflag:s15] =	ssyncset.done $0x0  }
0x56: {  	p0 =	sne.s32 s3, s13;
	[sflag:s15] =	ssyncadd.s32 $0xFFFFC000  }
.Ltmp2:
0x57: {  	[bflag:$0x0] =	sbarrier.arrive $0xFFFF;
	(pc) =	sbr.rel @p0 .LBB2_1-.Ltmp2, $4  }
0x58: {  	[hbm:s12], [sflag:s19] =	dma.local [spmem:s20], $0x2800  }
0x59: {  	_ =	swait.ge [sflag:s15], $0x2800  }
0x5a: {  	[sflag:s15] =	ssyncset.done $0x0  }
0x5b: {  	[sflag:s15] =	ssyncadd.s32 $0xFFFFD800  }
0x5c: {  	_ =	sfence.sel $0x180000  }
0x5d: {  	[bflag:$0x0] =	sbarrier.arrive $0xFFFF  }
0x5e: {  	p0 =	sne.s32 s0, $0x0;
	_ =	strace $0x9000004D  }
0x5f: {  	s0 =	sadd.s32 @!p0 $0x100000, s1;
	[bflag:$0x2] =	sbarrier.arrive $0xFFFF  }
0x60: {  	[sflag:s0] =	ssyncadd.tile.s32 @!p0 $0x1;
	_ =	shalt  }
.Lfunc_end2:
_tile_overlayer_lowered:
.L_overlay_start_2:
0x61: {  	(tag) =	ssettag $0x2  }
0x62: {  	s0 =	rddreg [dreg:$0x0];
	s2 =	stileid.u32  }
0x63: {  	s1 =	rddreg [dreg:$0x1];
	p0 =	sne.s32 s2, $0x0  }
0x64: {  	s3 =	rddreg [dreg:$0x2];
	[bflag:$0x3] =	sbarrier.arrive $0xFFFF;
	s2 =	simm.s32 @!p0 $0x1C02  }
0x65: {  	[timem:s3], [sflag:s2] =	dma.local @!p0 [hbm:s0], s1  }
0x66: {  	s0 =	simm.s32 @!p0 $0x2  }
0x67: {  	_ =	swait.ge @!p0 [sflag:s0], s1  }
0x68: {  	s1 =	ssub.s32 @!p0 $0x0, s1;
	[sflag:s0] =	ssyncset.done @!p0 $0x0  }
0x69: {  	[sflag:s0] =	ssyncadd.s32 @!p0 s1  }
0x6a: {  	[bflag:$0x3] =	sbarrier.arrive $0xFFFF  }
0x6b: {  	_ =	shalt  }

// kernel: kernel.20.cloned.1.call-start
scs
__scs_entry_jumppad:
0x0: {  	(pc) =	sbr.rel $0x88, $3  }
0x1: {  	(tag) =	ssettag $0x0;
	lr =	simm.s32 $0x1  }
0x2: {  	[smem:$0x3F93] =	sst lr;
	_ =	strace $0xD0000000  }
0x3: {  	_ = 	snop  }
0x4: {  	_ = 	snop  }
0x5: {  	_ = 	snop  }
0x6: {  	_ = 	snop  }
0x7: {  	_ = 	snop  }
__scs_overlays_trampoline_lowered:
0x8: {  	[smem:$0x3FA2] =	sst s0  }
0x9: {  	[smem:$0x3FA3] =	sst s1  }
0xa: {  	[smem:$0x3FA4] =	sst s2  }
0xb: {  	[smem:$0x3FA5] =	sst s3  }
0xc: {  	[smem:$0x3FA6] =	sst s4  }
0xd: {  	[smem:$0x3FA7] =	sst s5  }
0xe: {  	[smem:$0x3FA8] =	sst s6  }
0xf: {  	[smem:$0x3FA9] =	sst s7  }
0x10: {  	[smem:$0x3FAA] =	sst s8  }
0x11: {  	[smem:$0x3FAB] =	sst s9;
	s0 =	simm.s32 @!p0 $0x0  }
0x12: {  	s1 =	sld [smem:$0x3F91];
	s0 =	simm.s32 @p0 $0x1  }
0x13: {  	[smem:$0x3FAC] =	sst s0;
	s0 =	simm.s32 @!p1 $0x0  }
0x14: {  	s2 =	sld [smem:$0x3F90];
	s0 =	simm.s32 @p1 $0x1  }
0x15: {  	[smem:$0x3FAD] =	sst s0;
	s0 =	simm.s32 @!p2 $0x0  }
0x16: {  	s3 =	sld [smem:$0x3FDB];
	s0 =	simm.s32 @p2 $0x1  }
0x17: {  	s4 =	simm.s32 $0x1BF5;
	[smem:$0x3FAF] =	sst s0  }
0x18: {  	s0 =	sld [smem:$0x3F92];
	_ =	swait.ge [sflag:s4], $0x0  }
0x19: {  	s7 =	sld [smem:$0x3F93]  }
0x1a: {  	s8 =	sadd.s32 $0xFFFFE003, lr  }
0x1b: {  	s9 =	sadd.s32 $0xFFFFFEF7, lr;
	s5 =	simm.s32 $0xFFFFFFFF;
	p2 =	slt.u32 s8, $0xFFFFF086  }
0x1c: {  	p1 =	slt.u32 s9, $0xF7A;
	s5 =	simm.s32 @!p2 $0x0  }
0x1d: {  	s5 =	simm.s32 @p1 $0x1;
	p0 =	seq.s32 s7, s2  }
0x1e: {  	s7 =	smul.u32 @!p0 $0xF7A, s2;
	p2 =	seq.s32 @!p0 s5, $0x0  }
0x1f: {  	s9 =	smul.u32 $0xF7A, s1;
	s8 =	simm.s32 @!p0 $0x1BF5;
	p2 =	por !p2, p0  }
0x20: {  	[sflag:s8] =	ssyncset.s32 @!p0 $0xFFFFF086;
	s6 =	sadd.s32 @!p0 s3, s7;
	s7 =	simm.s32 @!p0 $0x108  }
0x21: {  	s3 =	sadd.s32 s3, s9;
	s6 =	sadd.s32 @!p0 $0x88, s6;
	s7 =	simm.s32 @p2 $0x1082  }
0x22: {  	[simem:s7], [sflag:s8] =	dma.local @!p0 [hbm:s6], $0xF7A  }
0x23: {  	s9 =	sor.u32 $0xD0000000, s2;
	s6 =	simm.s32 $0x108;
	_ =	swait.ge @!p0 [sflag:s8], $0x0  }
0x24: {  	s3 =	sadd.s32 $0x88, s3;
	s6 =	simm.s32 @!p1 $0x1082;
	[sflag:s4] =	ssyncset.s32 $0xFFFFF086  }
0x25: {  	[simem:s6], [sflag:s4] =	dma.local [hbm:s3], $0xF7A  }
0x26: {  	[smem:$0x3F93] =	sst s1;
	(tag) =	ssettag s2;
	_ =	strace s9  }
0x27: {  	s1 =	sld [smem:$0x3FA3]  }
0x28: {  	s2 =	sld [smem:$0x3FA4]  }
0x29: {  	s4 =	sld [smem:$0x3FA6]  }
0x2a: {  	p0 =	seq.s32 s5, $0x0;
	s5 =	sld [smem:$0x3FA7]  }
0x2b: {  	s6 =	sld [smem:$0x3FA8]  }
0x2c: {  	s7 =	sld [smem:$0x3FA9]  }
0x2d: {  	s3 =	simm.s32 $0x108;
	s8 =	sld [smem:$0x3FAA]  }
0x2e: {  	s3 =	simm.s32 @!p0 $0x1082;
	s9 =	sld [smem:$0x3FAB]  }
0x2f: {  	lr =	sadd.s32 s0, s3;
	s0 =	sld [smem:$0x3FA2]  }
0x30: {  	s3 =	sld [smem:$0x3FA5]  }
0x31: {  	[smem:$0x3FAE] =	sst s10  }
0x32: {  	s10 =	sld [smem:$0x3FAC];
	_ =	sdelay $0x3  }
0x33: {  	p0 =	seq.s32 s10, $0x1;
	s10 =	sld [smem:$0x3FAE];
	_ =	sdelay $0x3  }
0x34: {  	[smem:$0x3FAE] =	sst s10  }
0x35: {  	s10 =	sld [smem:$0x3FAD];
	_ =	sdelay $0x3  }
0x36: {  	p1 =	seq.s32 s10, $0x1;
	s10 =	sld [smem:$0x3FAE];
	_ =	sdelay $0x3  }
0x37: {  	[smem:$0x3FAE] =	sst s10  }
0x38: {  	s10 =	sld [smem:$0x3FAF]  }
0x39: {  	_ = 	snop;
	(pc) =	sbr.ind lr, $3  }
0x3a: {  	_ = 	snop  }
0x3b: {  	_ = 	snop  }
0x3c: {  	p2 =	seq.s32 s10, $0x1;
	s10 =	sld [smem:$0x3FAE]  }
0x3d: {  	_ =	shalt  }
0x3e: {  	_ =	shalt  }
0x3f: {  	_ =	shalt  }
0x40: {  	_ =	shalt  }
0x41: {  	_ =	shalt  }
0x42: {  	_ =	shalt  }
0x43: {  	_ =	shalt  }
0x44: {  	_ =	shalt  }
0x45: {  	_ =	shalt  }
0x46: {  	_ =	shalt  }
0x47: {  	_ =	shalt  }
0x48: {  	_ =	shalt  }
0x49: {  	_ =	shalt  }
0x4a: {  	_ =	shalt  }
0x4b: {  	_ =	shalt  }
0x4c: {  	_ =	shalt  }
0x4d: {  	_ =	shalt  }
0x4e: {  	_ =	shalt  }
0x4f: {  	_ =	shalt  }
0x50: {  	_ =	shalt  }
0x51: {  	_ =	shalt  }
0x52: {  	_ =	shalt  }
0x53: {  	_ =	shalt  }
0x54: {  	_ =	shalt  }
0x55: {  	_ =	shalt  }
0x56: {  	_ =	shalt  }
0x57: {  	_ =	shalt  }
0x58: {  	_ =	shalt  }
0x59: {  	_ =	shalt  }
0x5a: {  	_ =	shalt  }
0x5b: {  	_ =	shalt  }
0x5c: {  	_ =	shalt  }
0x5d: {  	_ =	shalt  }
0x5e: {  	_ =	shalt  }
0x5f: {  	_ =	shalt  }
0x60: {  	_ =	shalt  }
0x61: {  	_ =	shalt  }
0x62: {  	_ =	shalt  }
0x63: {  	_ =	shalt  }
0x64: {  	_ =	shalt  }
0x65: {  	_ =	shalt  }
0x66: {  	_ =	shalt  }
0x67: {  	_ =	shalt  }
0x68: {  	_ =	shalt  }
0x69: {  	_ =	shalt  }
0x6a: {  	_ =	shalt  }
0x6b: {  	_ =	shalt  }
0x6c: {  	_ =	shalt  }
0x6d: {  	_ =	shalt  }
0x6e: {  	_ =	shalt  }
0x6f: {  	_ =	shalt  }
0x70: {  	_ =	shalt  }
0x71: {  	_ =	shalt  }
0x72: {  	_ =	shalt  }
0x73: {  	_ =	shalt  }
0x74: {  	_ =	shalt  }
0x75: {  	_ =	shalt  }
0x76: {  	_ =	shalt  }
0x77: {  	_ =	shalt  }
0x78: {  	_ =	shalt  }
0x79: {  	_ =	shalt  }
0x7a: {  	_ =	shalt  }
0x7b: {  	_ =	shalt  }
0x7c: {  	_ =	shalt  }
0x7d: {  	_ =	shalt  }
0x7e: {  	_ =	shalt  }
0x7f: {  	_ =	shalt  }
0x80: {  	_ =	shalt  }
0x81: {  	_ =	shalt  }
0x82: {  	_ =	shalt  }
0x83: {  	_ =	shalt  }
0x84: {  	_ =	shalt  }
0x85: {  	_ =	shalt  }
0x86: {  	_ =	shalt  }
0x87: {  	_ =	shalt  }
.Lfunc_end0:
.L_simem_size_0:
called_computation.3_lowered:
.L_overlay_start_0:
0x88: {  	s2 =	sld [smem:$0x3FD9]  }
0x89: {  	s3 =	sld [smem:$0x3FFE];
	_ =	sdelay $0x1  }
0x8a: {  	s1 =	srdreg.scid  }
0x8b: {  	s0 =	sand.u32 $0x1, s1  }
0x8c: {  	s16 =	sshll.u32 s0, $0xA;
	s2 =	sadd.s32 s3, s2  }
0x8d: {  	s2 =	sadd.s32 s2, s16  }
0x8e: {  	[smem:$0x3FBA] =	sst s2  }
0x8f: {  	_ = 	snop  }
0x90: {  	(tm) =	ssettm $0x1  }
0x91: {  	s17 =	sld [smem:$0x3FFB];
	_ =	sdelay $0x3  }
0x92: {  	_ =	strace s17  }
0x93: {  	s2 =	sld [smem:$0x3FFC];
	_ =	sdelay $0x3  }
0x94: {  	_ =	strace s2  }
0x95: {  	s2 =	sld [smem:$0x3FFD];
	_ =	sdelay $0x3  }
0x96: {  	_ =	strace s2  }
0x97: {  	_ =	strace $0x8FFFFFFF  }
0x98: {  	s18 =	sld [smem:$0x3FDB];
	_ =	sdelay $0x1  }
0x99: {  	s19 =	simm.s32 $_scs_section_size  }
0x9a: {  	s4 =	simm.s32 $_size__tile_overlayer_lowered;
	s5 =	simm.s32 $_tile_overlayer_lowered  }
0x9b: {  	s22 =	simm.s32 $0x1BFF;
	s21 =	sshll.u32 s5, $0x1;
	s2 =	sadd.s32 s19, s18  }
0x9c: {  	s6 =	simm.s32 $0x0;
	s20 =	sshll.u32 s4, $0x1;
	s4 =	sadd.s32 s21, s2  }
0x9d: {  	[timem:s6], [sflag:s22] =	dma.local [hbm:s4], s20  }
0x9e: {  	_ =	swait.ge [sflag:s22], s20  }
0x9f: {  	s3 =	ssub.s32 $0x0, s20;
	[sflag:s22] =	ssyncset.done $0x0  }
0xa0: {  	[sflag:s22] =	ssyncadd.s32 s3;
	_ =	sdelay $0x1  }
0xa1: {  	s23 =	simm.s32 $0x1B8B  }
0xa2: {  	_ =	swait.ge [sflag:s23], $0x1  }
0xa3: {  	[sflag:s23] =	ssyncset.done $0x0  }
0xa4: {  	s25 =	simm.s32 $0x1B8E;
	s24 =	sld [smem:$0x3FFE];
	[sflag:s23] =	ssyncadd.s32 $0xFFFFFFFF  }
0xa5: {  	s26 =	simm.s32 $execute0_lowered;
	[smem:$0x3FD2] =	sst s25  }
0xa6: {  	s4 =	sshll.u32 s26, $0x1;
	_ =	strace $0x8000004F;
	[dreg:$0x1] =	wrdreg $0xFFFFFFFF  }
0xa7: {  	s28 =	simm.s32 $_size_execute0_lowered;
	s2 =	sadd.s32 s2, s4;
	[dreg:$0x0] =	wrdreg $0x0  }
0xa8: {  	s4 =	sshll.u32 s28, $0x1;
	[dreg:$0x2] =	wrdreg s2  }
0xa9: {  	[dreg:$0x3] =	wrdreg s4  }
0xaa: {  	[dreg:$0x4] =	wrdreg $0xC0  }
0xab: {  	_ =	task [dreg:s6], $0x5FFFF  }
0xac: {  	[dreg:$0x1] =	wrdreg $0xFFFFFFFF  }
0xad: {  	[dreg:$0x0] =	wrdreg $0x60  }
0xae: {  	[dreg:$0x2] =	wrdreg s24  }
0xaf: {  	[dreg:$0x3] =	wrdreg $0x90000  }
0xb0: {  	[dreg:$0x4] =	wrdreg $0x9  }
0xb1: {  	_ =	task.clear_ibuf [dreg:s6], $0x5FFFF;
	_ =	strace $0x9000004F  }
0xb2: {  	s29 =	simm.s32 $0x9;
	_ =	strace $0x80000051  }
0xb3: {  	_ =	swait.ge [sflag:s29], $0x1  }
0xb4: {  	[sflag:s29] =	ssyncadd.s32 $0xFFFFFFFF  }
0xb5: {  	_ =	strace $0x90000051  }
0xb6: {  	_ =	sfence  }
0xb7: {  	s30 =	sld [smem:$0x0];
	_ =	sdelay $0x2  }
0xb8: {  	s31 =	sshll.u32 s1, $0xD;
	s1 =	sshrl.u32 s1, $0x2  }
0xb9: {  	s3 =	sand.u32 $0x4000, s31;
	s1 =	sadd.s32 s1, s30  }
0xba: {  	s0 =	sor.u32 s3, s0;
	s1 =	sshll.u32 s1, $0x11  }
0xbb: {  	s0 =	sor.u32 s1, s0  }
0xbc: {  	s0 =	sadd.s32 $0x8F2B, s0  }
0xbd: {  	[sflag:s0] =	ssyncadd.remote.s32 $0x1  }
0xbe: {  	_ =	sfence.sel $0xFFFF  }
0xbf: {  	[dreg:$0x0] =	wrdreg $0xFFFFFFFF;
	(pc) =	sbr.abs _section_cstart, $3  }
0xc0: {  	[dreg:$0x1] =	wrdreg $0xFFFFFFFF  }
0xc1: {  	_ =	task.clear_ibuf [dreg:s6], $0x2FFFF;
	_ =	strace $0x9FFFFFFF  }
0xc2: {  	(tm) =	ssettm $0x7FFFFFFF  }
0xc3: {  	_ =	shalt  }
tec
execute0_lowered:
.L_overlay_start_1:
0x0: {  	(tag) =	ssettag $0x1  }
0x1: {  	s1 =	srdreg.scid;
	s6 =	rddreg [dreg:$0x0]  }
0x2: {  	s0 =	stileid.u32;
	s2 =	rddreg [dreg:$0x1];
	s3 =	simm.s32 $0x0  }
0x3: {  	s14 =	simm.s32 $0x5000;
	s15 =	simm.s32 $0x2;
	s16 =	simm.s32 $0x2800  }
0x4: {  	s17 =	simm.s32 $0x80;
	s18 =	simm.s32 $0x1;
	s5 =	sand.u32 $0x1, s1  }
0x5: {  	s26 =	sshll.u32 s0, $0x1;
	s9 =	smul.u32 $0x14000, s0;
	[smem:$0x7FF] =	sst s3  }
0x6: {  	s10 =	smul.u32 $0x50000, s0;
	s4 =	sadd.s32 $0x3400, s6;
	s19 =	sshll.u32 s0, $0x6  }
0x7: {  	s1 =	sor.u32 s5, s26;
	s8 =	smul.u32 $0x140000, s5;
	s29 =	ssub.s32 $0x2, s5  }
0x8: {  	s19 =	sor.u32 $0x1C02, s19;
	s7 =	smul.u32 $0x500, s1;
	s1 =	rddreg [dreg:$0x2]  }
0x9: {  	_ =	strace $0x80000050;
	s30 =	sshrl.u32 s10, $0x2;
	s31 =	sshrl.u32 s29, $0x1  }
0xa: {  	s28 =	sadd.s32 s9, s8;
	s5 =	sadd.s32 s30, s2;
	s13 =	ssub.s32 s29, s31  }
0xb: {  	s11 =	sadd.s32 s7, s6;
	s7 =	sshrl.u32 s28, $0x3;
	s8 =	sadd.s32 $0xC000, s5  }
0xc: {  	s9 =	sadd.s32 $0x10000, s5;
	s13 =	smax.u32 s13, $0x1;
	s20 =	sshrl.u32 s5, $0x3  }
0xd: {  	s12 =	sadd.s32 s7, s6;
	s6 =	sadd.s32 $0x4000, s5;
	s7 =	sadd.s32 $0x8000, s5  }
0xe: {  	v0 =	vimm.f32 $0.0e+00;
	s10 =	sadd.s32 $0x8E600, s11;
	s11 =	sadd.s32 $0x84600, s11;
	s12 =	sadd.s32 $0x2B400, s12  }
.LBB2_1:
0xf: {  	s21 =	simm.s32 $0x0;
	s22 =	simm.s32 $0x200  }
.LBB2_2:
0x10: {  	p0 =	sne.s32 s22, $0xFE00;
	[tilespmem:s21+$0x5070] =	vst v0  }
0x11: {  	[tilespmem:s21+$0x5000] =	vst v0  }
0x12: {  	[tilespmem:s21+$0x5010] =	vst v0  }
.Ltmp0:
0x13: {  	[tilespmem:s21+$0x5020] =	vst v0;
	(pc) =	sbr.rel @p0 .LBB2_2-.Ltmp0, $4  }
0x14: {  	[tilespmem:s21+$0x5030] =	vst v0  }
0x15: {  	[tilespmem:s21+$0x5040] =	vst v0  }
0x16: {  	[tilespmem:s21+$0x5050] =	vst v0  }
0x17: {  	[tilespmem:s21+$0x5060] =	vst v0;
	s21 =	sshra.s32 s22, $0x2;
	s22 =	sadd.s32 $0x200, s22  }
0x18: {  	[tilespmem:s21+$0x5070] =	vst v0  }
0x19: {  	[tilespmem:s21+$0x5000] =	vst v0  }
0x1a: {  	[tilespmem:s21+$0x5010] =	vst v0  }
0x1b: {  	[tilespmem:s21+$0x5020] =	vst v0  }
0x1c: {  	[tilespmem:s21+$0x5030] =	vst v0  }
0x1d: {  	[tilespmem:s21+$0x5040] =	vst v0  }
0x1e: {  	[tilespmem:s21+$0x5050] =	vst v0  }
0x1f: {  	[tilespmem:s21+$0x5060] =	vst v0  }
0x20: {  	[spmem:s5] =	stream.linear.scatter [tilespmem:s14], [sflag:$0x2], $0x4000, $0x38;
	[tilespmem:$0x1D000] =	vst v63  }
0x21: {  	_ =	swait.ge [sflag:s15], $0x4000  }
0x22: {  	[sflag:s15] =	ssyncset.done $0x0  }
0x23: {  	[sflag:s15] =	ssyncadd.s32 $0xFFFFC000  }
0x24: {  	[spmem:s6] =	stream.linear.scatter [tilespmem:s14], [sflag:$0x2], $0x4000, $0x38;
	[tilespmem:$0x1D000] =	vst v63  }
0x25: {  	_ =	swait.ge [sflag:s15], $0x4000  }
0x26: {  	[sflag:s15] =	ssyncset.done $0x0  }
0x27: {  	[sflag:s15] =	ssyncadd.s32 $0xFFFFC000  }
0x28: {  	[spmem:s7] =	stream.linear.scatter [tilespmem:s14], [sflag:$0x2], $0x4000, $0x38;
	[tilespmem:$0x1D000] =	vst v63  }
0x29: {  	_ =	swait.ge [sflag:s15], $0x4000  }
0x2a: {  	[sflag:s15] =	ssyncset.done $0x0  }
0x2b: {  	[sflag:s15] =	ssyncadd.s32 $0xFFFFC000  }
0x2c: {  	[spmem:s8] =	stream.linear.scatter [tilespmem:s14], [sflag:$0x2], $0x4000, $0x38;
	[tilespmem:$0x1D000] =	vst v63  }
0x2d: {  	_ =	swait.ge [sflag:s15], $0x4000  }
0x2e: {  	[sflag:s15] =	ssyncset.done $0x0  }
0x2f: {  	[sflag:s15] =	ssyncadd.s32 $0xFFFFC000  }
0x30: {  	[spmem:s9] =	stream.linear.scatter [tilespmem:s14], [sflag:$0x2], $0x4000, $0x38;
	[tilespmem:$0x1D000] =	vst v63  }
0x31: {  	_ =	swait.ge [sflag:s15], $0x4000  }
0x32: {  	[sflag:s15] =	ssyncset.done $0x0  }
0x33: {  	[sflag:s15] =	ssyncadd.s32 $0xFFFFC000  }
0x34: {  	s29 =	simm.s32 $0x0;
	[bflag:$0x0] =	sbarrier.arrive $0xFFFF  }
0x35: {  	[tilespmem:s29], [sflag:$0x2] =	stream.linear.gather [hbm4b:s10+s29], $0x2780, $0x38;
	[tilespmem:$0x1D000] =	vst v63  }
0x36: {  	_ =	swait.ge [sflag:s15], $0x2780  }
0x37: {  	[sflag:s15] =	ssyncset.done $0x0  }
0x38: {  	[sflag:s15] =	ssyncadd.s32 $0xFFFFD880  }
0x39: {  	[tilespmem:s16], [sflag:$0x2] =	stream.linear.gather [hbm4b:s11+s29], $0x2780, $0x38;
	[tilespmem:$0x1D000] =	vst v63  }
0x3a: {  	_ =	swait.ge [sflag:s15], $0x2780  }
0x3b: {  	[sflag:s15] =	ssyncset.done $0x0  }
0x3c: {  	s30 =	simm.s32 $0x0;
	[sflag:s15] =	ssyncadd.s32 $0xFFFFD880  }
0x3d: {  	[tilespmem:s14], [sflag:$0x1] =	stream.indirect.gather [hbm4b:s4+s17], $0x80, s30, s17, $0xb8;
	[tilespmem:$0x1D000] =	vst v63  }
0x3e: {  	_ =	swait.ge [sflag:s18], $0x4000  }
0x3f: {  	[sflag:s18] =	ssyncset.done $0x0  }
0x40: {  	s31 =	simm.s32 $0x2800;
	[sflag:s18] =	ssyncadd.s32 $0xFFFFC000  }
0x41: {  	[spmem:s2] =	stream.indirect.scatter.add.f32 [tilespmem:s14], [sflag:$0x2], $0x80, s31, s17, $0xb8;
	[tilespmem:$0x1D000] =	vst v63  }
0x42: {  	_ =	swait.ge [sflag:s15], $0x4000  }
0x43: {  	s21 =	simm.s32 $0x200;
	s22 =	simm.s32 $0x400;
	[sflag:s15] =	ssyncset.done $0x0  }
.LBB2_4:
0x44: {  	s23 =	sshra.s32 s21, $0x2  }
0x45: {  	[sflag:s15] =	ssyncadd.s32 $0xFFFFC000;
	s21 =	smov.u32 s22;
	s24 =	sadd.s32 $0x200, s22  }
0x46: {  	[tilespmem:s14], [sflag:$0x1] =	stream.indirect.gather [hbm4b:s4+s17], $0x80, s23, s17, $0xb8;
	[tilespmem:$0x1D000] =	vst v63  }
0x47: {  	p0 =	sne.s32 s22, $0x9C00;
	_ =	swait.ge [sflag:s18], $0x4000  }
.Ltmp1:
0x48: {  	[sflag:s18] =	ssyncset.done $0x0;
	(pc) =	sbr.rel @p0 .LBB2_4-.Ltmp1, $4  }
0x49: {  	s22 =	sadd.s32 $0x2800, s23;
	[sflag:s18] =	ssyncadd.s32 $0xFFFFC000  }
0x4a: {  	[spmem:s2] =	stream.indirect.scatter.add.f32 [tilespmem:s14], [sflag:$0x2], $0x80, s22, s17, $0xb8;
	[tilespmem:$0x1D000] =	vst v63  }
0x4b: {  	_ =	swait.ge [sflag:s15], $0x4000  }
0x4c: {  	s22 =	smov.u32 s24;
	[sflag:s15] =	ssyncset.done $0x0  }
0x4d: {  	s21 =	sshra.s32 s21, $0x2;
	[sflag:s15] =	ssyncadd.s32 $0xFFFFC000  }
0x4e: {  	[tilespmem:s14], [sflag:$0x1] =	stream.indirect.gather [hbm4b:s4+s17], $0x80, s21, s17, $0xb8;
	[tilespmem:$0x1D000] =	vst v63  }
0x4f: {  	_ =	swait.ge [sflag:s18], $0x4000  }
0x50: {  	[sflag:s18] =	ssyncset.done $0x0  }
0x51: {  	s21 =	sadd.s32 $0x2800, s21;
	[sflag:s18] =	ssyncadd.s32 $0xFFFFC000  }
0x52: {  	[spmem:s2] =	stream.indirect.scatter.add.f32 [tilespmem:s14], [sflag:$0x2], $0x80, s21, s17, $0xb8;
	[tilespmem:$0x1D000] =	vst v63  }
0x53: {  	_ =	swait.ge [sflag:s15], $0x4000  }
0x54: {  	s3 =	sadd.s32 $0x1, s3;
	[sflag:s15] =	ssyncset.done $0x0  }
0x55: {  	p0 =	sne.s32 s3, s13;
	[sflag:s15] =	ssyncadd.s32 $0xFFFFC000  }
.Ltmp2:
0x56: {  	[bflag:$0x0] =	sbarrier.arrive $0xFFFF;
	(pc) =	sbr.rel @p0 .LBB2_1-.Ltmp2, $4  }
0x57: {  	[hbm:s12], [sflag:s19] =	dma.local [spmem:s20], $0x2800  }
0x58: {  	_ =	swait.ge [sflag:s15], $0x2800  }
0x59: {  	[sflag:s15] =	ssyncset.done $0x0  }
0x5a: {  	[sflag:s15] =	ssyncadd.s32 $0xFFFFD800  }
0x5b: {  	_ =	sfence.sel $0x180000  }
0x5c: {  	[bflag:$0x0] =	sbarrier.arrive $0xFFFF  }
0x5d: {  	p0 =	sne.s32 s0, $0x0;
	_ =	strace $0x90000050  }
0x5e: {  	s0 =	sadd.s32 @!p0 $0x100000, s1;
	[bflag:$0x2] =	sbarrier.arrive $0xFFFF  }
0x5f: {  	[sflag:s0] =	ssyncadd.tile.s32 @!p0 $0x1;
	_ =	shalt  }
.Lfunc_end2:
_tile_overlayer_lowered:
.L_overlay_start_2:
0x60: {  	(tag) =	ssettag $0x2  }
0x61: {  	s0 =	rddreg [dreg:$0x0];
	s2 =	stileid.u32  }
0x62: {  	s1 =	rddreg [dreg:$0x1];
	p0 =	sne.s32 s2, $0x0  }
0x63: {  	s3 =	rddreg [dreg:$0x2];
	[bflag:$0x3] =	sbarrier.arrive $0xFFFF;
	s2 =	simm.s32 @!p0 $0x1C02  }
0x64: {  	[timem:s3], [sflag:s2] =	dma.local @!p0 [hbm:s0], s1  }
0x65: {  	s0 =	simm.s32 @!p0 $0x2  }
0x66: {  	_ =	swait.ge @!p0 [sflag:s0], s1  }
0x67: {  	s1 =	ssub.s32 @!p0 $0x0, s1;
	[sflag:s0] =	ssyncset.done @!p0 $0x0  }
0x68: {  	[sflag:s0] =	ssyncadd.s32 @!p0 s1  }
0x69: {  	[bflag:$0x3] =	sbarrier.arrive $0xFFFF  }
0x6a: {  	_ =	shalt  }

</sc_bundles>
